<compile_context>
chip_gen: v7x
topology: tpu7x:2x2x1
jax: 0.10.2.dev20260603
libtpu: 0.0.44.dev20260713+nightly
codegen_flags: <defaults>
</compile_context>

<pallas_src>
import functools

import jax
import jax.numpy as jnp
from jax import lax
from jax.experimental import pallas as pl
from jax.experimental.pallas import tpu as pltpu
from jax.experimental.pallas import tpu_sc as plsc

_N = 10000
_E = 320000
_D = 128
_NSUB = 16
_NPAD = 10240
_EMAIN = 19968
_ETAIL = _E - _NSUB * _EMAIN
_EC = _EMAIN + _ETAIL
_NC = _NPAD // _NSUB
_L = 16
_DUMMY = _NPAD - 1
_UNROLL = 8


def _rsqrt16(x):
    i = lax.bitcast_convert_type(x, jnp.int32)
    i = jnp.int32(0x5F3759DF) - (i >> 1)
    y = lax.bitcast_convert_type(i, jnp.float32)
    for _ in range(3):
        y = y * (jnp.float32(1.5) - jnp.float32(0.5) * x * y * y)
    return y


def _sc_node_weights(ei_hbm, dis_hbm, sparts_hbm,
                     ei_v, deg_l, s_l, dis_l, red_v, node_w, slot_sp, dis_sp,
                     sem):
    wid = lax.axis_index("s")
    ebase = wid * _EMAIN
    nbase = wid * _NC
    ones = jnp.full((_L,), 1.0, jnp.float32)

    stage = pltpu.async_copy(ei_hbm.at[:, pl.ds(ebase, _EMAIN)],
                             ei_v.at[:, pl.ds(0, _EMAIN)], sem)

    @plsc.parallel_loop(0, _ETAIL // _L, unroll=8)
    def _fill_dummy(i):
        sl = pl.ds(_EMAIN + i * _L, _L)
        ei_v[0, sl] = jnp.full((_L,), _DUMMY, jnp.int32)
        ei_v[1, sl] = jnp.full((_L,), _DUMMY, jnp.int32)

    @plsc.parallel_loop(0, _NPAD // _L, unroll=8)
    def _zero(i):
        sl = pl.ds(i * _L, _L)
        deg_l[sl] = jnp.zeros((_L,), jnp.float32)
        s_l[sl] = jnp.zeros((_L,), jnp.float32)

    stage.wait()

    @pl.when(wid == _NSUB - 1)
    def _tail():
        pltpu.sync_copy(ei_hbm.at[:, pl.ds(_NSUB * _EMAIN, _ETAIL)],
                        ei_v.at[:, pl.ds(_EMAIN, _ETAIL)])

    @plsc.parallel_loop(0, _EC // _L, unroll=_UNROLL)
    def _hist(i):
        idx = ei_v[1, pl.ds(i * _L, _L)]
        plsc.addupdate_scatter(deg_l, [idx], ones)

    pltpu.sync_copy(deg_l, slot_sp.at[wid])
    plsc.subcore_barrier()
    pltpu.sync_copy(slot_sp.at[:, pl.ds(nbase, _NC)], red_v)

    @plsc.parallel_loop(0, _NC // _L, unroll=4)
    def _mkdis(c):
        sl = pl.ds(c * _L, _L)
        acc = jnp.full((_L,), 1.0, jnp.float32)
        for j in range(_NSUB):
            acc = acc + red_v[j, sl]
        node_w[sl] = _rsqrt16(acc)
    pltpu.sync_copy(node_w, dis_sp.at[pl.ds(nbase, _NC)])
    pltpu.sync_copy(node_w, dis_hbm.at[0, pl.ds(nbase, _NC)])
    plsc.subcore_barrier()

    pltpu.sync_copy(dis_sp, dis_l)

    @plsc.parallel_loop(0, _EC // _L, unroll=_UNROLL)
    def _seg(i):
        d_idx = ei_v[1, pl.ds(i * _L, _L)]
        s_idx = ei_v[0, pl.ds(i * _L, _L)]
        g = plsc.load_gather(dis_l, [d_idx])
        plsc.addupdate_scatter(s_l, [s_idx], g)

    pltpu.sync_copy(s_l, sparts_hbm.at[wid])


_sc_kernel = functools.partial(
    pl.kernel,
    out_type=(jax.ShapeDtypeStruct((1, _NPAD), jnp.float32),
              jax.ShapeDtypeStruct((_NSUB, _NPAD), jnp.float32)),
    mesh=plsc.VectorSubcoreMesh(core_axis_name="c", subcore_axis_name="s",
                                num_cores=1),
    compiler_params=pltpu.CompilerParams(needs_layout_passes=False),
    scratch_types=[
        pltpu.VMEM((2, _EC), jnp.int32),
        pltpu.VMEM((_NPAD,), jnp.float32),
        pltpu.VMEM((_NPAD,), jnp.float32),
        pltpu.VMEM((_NPAD,), jnp.float32),
        pltpu.VMEM((_NSUB, _NC), jnp.float32),
        pltpu.VMEM((_NC,), jnp.float32),
        pltpu.VMEM_SHARED((_NSUB, _NPAD), jnp.float32),
        pltpu.VMEM_SHARED((_NPAD,), jnp.float32),
        pltpu.SemaphoreType.DMA,
    ],
)(_sc_node_weights)


def _tc_a_body(x_ref, wa_ref, aa_ref, h1_ref):
    x = x_ref[...]
    wh = jnp.dot(x, wa_ref[...], preferred_element_type=jnp.float32)
    e = jnp.dot(wh, aa_ref[...], preferred_element_type=jnp.float32)
    e = jnp.where(e > 0, e, jnp.float32(0.2) * e)
    p = jnp.exp(e - jnp.max(e))
    attn = p * (jnp.float32(1.0) / jnp.sum(p))
    z = attn * wh
    h1 = jnp.where(z > 0, z, jnp.exp(z) - jnp.float32(1.0))
    h1_ref[...] = h1.astype(jnp.bfloat16)


def _tc_b_body(h1_ref, dis_ref, sp_ref, wg_ref, bg_ref, wo_ref, bo_ref,
               o_ref):
    dis = dis_ref[...]
    s = jnp.sum(sp_ref[...], axis=0, keepdims=True)
    w = dis * (s + dis)
    v = jnp.dot(w[:, :_N].astype(jnp.bfloat16), h1_ref[...],
                preferred_element_type=jnp.float32)
    g = (jnp.dot(v, wg_ref[...], preferred_element_type=jnp.float32)
         * jnp.float32(1.0 / _N) + bg_ref[...])
    r = (jnp.dot(g, wo_ref[...], preferred_element_type=jnp.float32)
         + bo_ref[...])
    r = r - jnp.max(r)
    pr = jnp.exp(r)
    o_ref[...] = pr * (jnp.float32(1.0) / jnp.sum(pr))


def kernel(features1, edge_index1, edgesAttr1, adjacency1, node2node_features1,
           W_att, a_att, W_gcn, b_gcn, W_out, b_out):
    dis_row, s_parts = _sc_kernel(edge_index1)
    h1 = pl.pallas_call(
        _tc_a_body,
        out_shape=jax.ShapeDtypeStruct((_N, _D), jnp.bfloat16),
    )(features1, W_att, a_att)
    out = pl.pallas_call(
        _tc_b_body,
        out_shape=jax.ShapeDtypeStruct((1, 2), jnp.float32),
    )(h1, dis_row, s_parts, W_gcn, b_gcn.reshape(1, _D), W_out,
      b_out.reshape(1, 2))
    return out

# --- scband reference (transcript-rebuilt; emitter-appended) ---
"""Pipeline reference for scband-vulnerability-detection-84902913508090 (READ-ONLY COPY).

The authoritative reference and input builder live on the scoring server;
editing this copy changes nothing except your own understanding.
"""

import jax, jax.numpy as jnp
import numpy as np

N = 10000
E = 320000
D = 128

def setup_inputs(seed: int = 0) -> dict:
    key = jax.random.key(seed)
    ks = jax.random.split(key, 10)
    features1 = jax.random.normal(ks[0], (N, D), dtype=jnp.float32)
    edge_index1 = jax.random.randint(ks[1], (2, E), 0, N, dtype=jnp.int32)
    edgesAttr1 = jax.random.normal(ks[2], (E, 4), dtype=jnp.float32)
    adjacency1 = jnp.zeros((N,), dtype=jnp.float32)
    node2node_features1 = jnp.zeros((N, 4), dtype=jnp.float32)
    s = 1.0 / np.sqrt(D)
    W_att = jax.random.normal(ks[3], (D, D), dtype=jnp.float32) * s
    a_att = jax.random.normal(ks[4], (D, 1), dtype=jnp.float32) * s
    W_gcn = jax.random.normal(ks[5], (D, D), dtype=jnp.float32) * s
    b_gcn = jnp.zeros((D,), dtype=jnp.float32)
    W_out = jax.random.normal(ks[6], (D, 2), dtype=jnp.float32) * s
    b_out = jnp.zeros((2,), dtype=jnp.float32)
    return {"features1": features1, "edge_index1": edge_index1, "edgesAttr1": edgesAttr1,
            "adjacency1": adjacency1, "node2node_features1": node2node_features1,
            "W_att": W_att, "a_att": a_att, "W_gcn": W_gcn, "b_gcn": b_gcn,
            "W_out": W_out, "b_out": b_out}

def reference(features1, edge_index1, edgesAttr1, adjacency1, node2node_features1,
              W_att, a_att, W_gcn, b_gcn, W_out, b_out):
    n = features1.shape[0]
    # SingleNodeAttentionLayer (GAT-style per-node attention, concat=True -> ELU)
    Wh = features1 @ W_att
    e = jax.nn.leaky_relu(Wh @ a_att, negative_slope=0.2)
    attn = jax.nn.softmax(e, axis=0)
    h1 = jax.nn.elu(attn * Wh)
    # GCNConv with self loops and symmetric normalization
    self_loops = jnp.arange(n, dtype=edge_index1.dtype)
    src = jnp.concatenate([edge_index1[0], self_loops])
    dst = jnp.concatenate([edge_index1[1], self_loops])
    deg = jnp.zeros((n,), jnp.float32).at[dst].add(1.0)
    dis = jax.lax.rsqrt(jnp.maximum(deg, 1e-12))
    norm = dis[src] * dis[dst]
    x = h1 @ W_gcn
    msg = jnp.take(x, src, axis=0) * norm[:, None]
    agg = jax.ops.segment_sum(msg, dst, num_segments=n) + b_gcn
    # output head
    res = agg @ W_out + b_out
    res = jnp.mean(res, axis=0, keepdims=True)
    return jax.nn.softmax(res, axis=-1)

if __name__ == "__main__":
    import jax
    _d = setup_inputs()
    print(jax.jit(kernel)(*tuple(_d.values())))

</pallas_src>

<mosaic_0001>
#map = affine_map<(d0, d1) -> (0, 0)>
module attributes {stable_mosaic.version = 14 : i64} {
  func.func @_sc_node_weights(%arg0: i32, %arg1: i32, %arg2: memref<2x320000xi32, #tpu.memory_space<hbm>>, %arg3: memref<1x10240xf32, #tpu.memory_space<hbm>>, %arg4: memref<16x10240xf32, #tpu.memory_space<hbm>>, %arg5: memref<2x20480xi32, #tpu.memory_space<vmem>>, %arg6: memref<10240xf32, #tpu.memory_space<vmem>>, %arg7: memref<10240xf32, #tpu.memory_space<vmem>>, %arg8: memref<10240xf32, #tpu.memory_space<vmem>>, %arg9: memref<16x640xf32, #tpu.memory_space<vmem>>, %arg10: memref<640xf32, #tpu.memory_space<vmem>>, %arg11: memref<16x10240xf32, #tpu.memory_space<vmem_shared>>, %arg12: memref<10240xf32, #tpu.memory_space<vmem_shared>>, %arg13: memref<!tpu.dma_semaphore, #tpu.memory_space<semaphore_mem>>) attributes {dimension_semantics = [#tpu.dimension_semantics<core_parallel>, #tpu.dimension_semantics<subcore_parallel>], iteration_bounds = array<i64: 1, 16>, scalar_prefetch = 0 : i64, scratch_operands = 9 : i64, tpu.core_type = #tpu.core_type<sc_vector_subcore>, window_params = [{transform_indices = #map}, {transform_indices = #map}, {transform_indices = #map}]} {
    %mul3A = arith.constant 19968 : i32
    %mul3A_0 = arith.muli %arg1, %mul3A : i32
    %mul3A_1 = arith.constant 640 : i32
    %mul3A_2 = arith.muli %arg1, %mul3A_1 : i32
    %broadcast_in_dim3A = arith.constant 1.000000e+00 : f32
    %broadcast_in_dim3A_3 = vector.broadcast %broadcast_in_dim3A : f32 to vector<16xf32>
    %dma_start3A = arith.constant 0 : i32
    %dma_start3A_4 = arith.constant 0 : i32
    %dma_start3A_5 = tpu.memref_slice %arg5[%dma_start3A, %dma_start3A_4] : memref<2x20480xi32, #tpu.memory_space<vmem>> -> memref<2x19968xi32, #tpu.memory_space<vmem>>
    %dma_start3A_6 = arith.constant 0 : i32
    %dma_start3A_7 = tpu.memref_slice %arg2[%dma_start3A_6, %mul3A_0] : memref<2x320000xi32, #tpu.memory_space<hbm>> -> memref<2x19968xi32, #tpu.memory_space<hbm>>
    %dma_start3A_8 = arith.constant 0 : i32
    %dma_start3A_9 = arith.constant 0 : i32
    %dma_start3A_10 = tpu.memref_slice %arg5[%dma_start3A_8, %dma_start3A_9] : memref<2x20480xi32, #tpu.memory_space<vmem>> -> memref<2x19968xi32, #tpu.memory_space<vmem>>
    %dma_start3A_11 = arith.constant 0 : i32
    %dma_start3A_12 = tpu.memref_slice %arg2[%dma_start3A_11, %mul3A_0] : memref<2x320000xi32, #tpu.memory_space<hbm>> -> memref<2x19968xi32, #tpu.memory_space<hbm>>
    tpu.enqueue_dma source(%dma_start3A_12 : memref<2x19968xi32, #tpu.memory_space<hbm>>) target(%dma_start3A_10 : memref<2x19968xi32, #tpu.memory_space<vmem>>) target_semaphore(%arg13 : memref<!tpu.dma_semaphore, #tpu.memory_space<semaphore_mem>>)
    %parallel_loop3A = arith.constant 0 : i32
    %parallel_loop3A_13 = arith.constant 32 : i32
    %parallel_loop3A_14 = arith.constant 1 : i32
    scf.for %parallel_loop3A_39 = %parallel_loop3A to %parallel_loop3A_13 step %parallel_loop3A_14  : i32 {
      %parallel_loop3A_40 = arith.constant 16 : i32
      %parallel_loop3A_41 = arith.muli %parallel_loop3A_39, %parallel_loop3A_40 : i32
      %parallel_loop3A_42 = arith.constant 19968 : i32
      %parallel_loop3A_43 = arith.addi %parallel_loop3A_42, %parallel_loop3A_41 : i32
      %parallel_loop3A_44 = arith.constant 10239 : i32
      %parallel_loop3A_45 = vector.broadcast %parallel_loop3A_44 : i32 to vector<16xi32>
      %parallel_loop3A_46 = arith.constant 0 : i32
      %parallel_loop3A_47 = arith.index_cast %parallel_loop3A_46 : i32 to index
      %parallel_loop3A_48 = arith.index_cast %parallel_loop3A_43 : i32 to index
      %parallel_loop3A_49 = tpu.vector_load %arg5[%parallel_loop3A_47, %parallel_loop3A_48] {strides = array<i32>} : memref<2x20480xi32, #tpu.memory_space<vmem>>, vector<16xi32>,
      tpu.vector_store %arg5[%parallel_loop3A_47, %parallel_loop3A_48], %parallel_loop3A_45 {strides = array<i32>} : memref<2x20480xi32, #tpu.memory_space<vmem>>, vector<16xi32>,
      %parallel_loop3A_50 = arith.constant 10239 : i32
      %parallel_loop3A_51 = vector.broadcast %parallel_loop3A_50 : i32 to vector<16xi32>
      %parallel_loop3A_52 = arith.constant 1 : i32
      %parallel_loop3A_53 = arith.index_cast %parallel_loop3A_52 : i32 to index
      %parallel_loop3A_54 = arith.index_cast %parallel_loop3A_43 : i32 to index
      %parallel_loop3A_55 = tpu.vector_load %arg5[%parallel_loop3A_53, %parallel_loop3A_54] {strides = array<i32>} : memref<2x20480xi32, #tpu.memory_space<vmem>>, vector<16xi32>,
      tpu.vector_store %arg5[%parallel_loop3A_53, %parallel_loop3A_54], %parallel_loop3A_51 {strides = array<i32>} : memref<2x20480xi32, #tpu.memory_space<vmem>>, vector<16xi32>,
    } {sc.loop_unroll_factor = 8 : i64, sc.parallel_access}
    %parallel_loop3A_15 = arith.constant 0 : i32
    %parallel_loop3A_16 = arith.constant 640 : i32
    %parallel_loop3A_17 = arith.constant 1 : i32
    scf.for %parallel_loop3A_39 = %parallel_loop3A_15 to %parallel_loop3A_16 step %parallel_loop3A_17  : i32 {
      %parallel_loop3A_40 = arith.constant 16 : i32
      %parallel_loop3A_41 = arith.muli %parallel_loop3A_39, %parallel_loop3A_40 : i32
      %parallel_loop3A_42 = arith.constant 0.000000e+00 : f32
      %parallel_loop3A_43 = vector.broadcast %parallel_loop3A_42 : f32 to vector<16xf32>
      %parallel_loop3A_44 = arith.index_cast %parallel_loop3A_41 : i32 to index
      %parallel_loop3A_45 = tpu.vector_load %arg6[%parallel_loop3A_44] {strides = array<i32>} : memref<10240xf32, #tpu.memory_space<vmem>>, vector<16xf32>,
      tpu.vector_store %arg6[%parallel_loop3A_44], %parallel_loop3A_43 {strides = array<i32>} : memref<10240xf32, #tpu.memory_space<vmem>>, vector<16xf32>,
      %parallel_loop3A_46 = arith.constant 0.000000e+00 : f32
      %parallel_loop3A_47 = vector.broadcast %parallel_loop3A_46 : f32 to vector<16xf32>
      %parallel_loop3A_48 = arith.index_cast %parallel_loop3A_41 : i32 to index
      %parallel_loop3A_49 = tpu.vector_load %arg7[%parallel_loop3A_48] {strides = array<i32>} : memref<10240xf32, #tpu.memory_space<vmem>>, vector<16xf32>,
      tpu.vector_store %arg7[%parallel_loop3A_48], %parallel_loop3A_47 {strides = array<i32>} : memref<10240xf32, #tpu.memory_space<vmem>>, vector<16xf32>,
    } {sc.loop_unroll_factor = 8 : i64, sc.parallel_access}
    %dma_wait3A = arith.constant 0 : i32
    %dma_wait3A_18 = arith.constant 0 : i32
    %dma_wait3A_19 = tpu.memref_slice %arg5[%dma_wait3A, %dma_wait3A_18] : memref<2x20480xi32, #tpu.memory_space<vmem>> -> memref<2x19968xi32, #tpu.memory_space<vmem>>
    %dma_wait3A_20 = arith.constant 0 : i32
    %dma_wait3A_21 = tpu.memref_slice %arg2[%dma_wait3A_20, %mul3A_0] : memref<2x320000xi32, #tpu.memory_space<hbm>> -> memref<2x19968xi32, #tpu.memory_space<hbm>>
    %dma_wait3A_22 = arith.constant 0 : i32
    %dma_wait3A_23 = arith.constant 0 : i32
    %dma_wait3A_24 = tpu.memref_slice %arg5[%dma_wait3A_22, %dma_wait3A_23] : memref<2x20480xi32, #tpu.memory_space<vmem>> -> memref<2x19968xi32, #tpu.memory_space<vmem>>
    %dma_wait3A_25 = arith.constant 0 : i32
    %dma_wait3A_26 = tpu.memref_slice %arg2[%dma_wait3A_25, %mul3A_0] : memref<2x320000xi32, #tpu.memory_space<hbm>> -> memref<2x19968xi32, #tpu.memory_space<hbm>>
    tpu.wait_dma2 semaphore(%arg13 : memref<!tpu.dma_semaphore, #tpu.memory_space<semaphore_mem>>) src(%dma_wait3A_26 : memref<2x19968xi32, #tpu.memory_space<hbm>>) dst(%dma_wait3A_24 : memref<2x19968xi32, #tpu.memory_space<vmem>>)
    %eq3A = arith.constant 15 : i32
    %eq3A_27 = arith.cmpi eq, %arg1, %eq3A : i32
    %convert_element_type3A = arith.extui %eq3A_27 : i1 to i32
    %cond3A = arith.constant 0 : i32
    %cond3A_28 = arith.cmpi ne, %convert_element_type3A, %cond3A : i32
    scf.if %cond3A_28 {
      "tpu.region"() ({
        %run_scoped3A_39 = tpu.sem_alloc : memref<!tpu.dma_semaphore, #tpu.memory_space<semaphore_mem>>
        %dma_start3A_40 = arith.constant 0 : i32
        %dma_start3A_41 = arith.constant 19968 : i32
        %dma_start3A_42 = tpu.memref_slice %arg5[%dma_start3A_40, %dma_start3A_41] : memref<2x20480xi32, #tpu.memory_space<vmem>> -> memref<2x512xi32, #tpu.memory_space<vmem>>
        %dma_start3A_43 = arith.constant 0 : i32
        %dma_start3A_44 = arith.constant 319488 : i32
        %dma_start3A_45 = tpu.memref_slice %arg2[%dma_start3A_43, %dma_start3A_44] : memref<2x320000xi32, #tpu.memory_space<hbm>> -> memref<2x512xi32, #tpu.memory_space<hbm>>
        %dma_start3A_46 = arith.constant 0 : i32
        %dma_start3A_47 = arith.constant 19968 : i32
        %dma_start3A_48 = tpu.memref_slice %arg5[%dma_start3A_46, %dma_start3A_47] : memref<2x20480xi32, #tpu.memory_space<vmem>> -> memref<2x512xi32, #tpu.memory_space<vmem>>
        %dma_start3A_49 = arith.constant 0 : i32
        %dma_start3A_50 = arith.constant 319488 : i32
        %dma_start3A_51 = tpu.memref_slice %arg2[%dma_start3A_49, %dma_start3A_50] : memref<2x320000xi32, #tpu.memory_space<hbm>> -> memref<2x512xi32, #tpu.memory_space<hbm>>
        tpu.enqueue_dma source(%dma_start3A_51 : memref<2x512xi32, #tpu.memory_space<hbm>>) target(%dma_start3A_48 : memref<2x512xi32, #tpu.memory_space<vmem>>) target_semaphore(%run_scoped3A_39 : memref<!tpu.dma_semaphore, #tpu.memory_space<semaphore_mem>>)
        %dma_wait3A_52 = arith.constant 0 : i32
        %dma_wait3A_53 = arith.constant 19968 : i32
        %dma_wait3A_54 = tpu.memref_slice %arg5[%dma_wait3A_52, %dma_wait3A_53] : memref<2x20480xi32, #tpu.memory_space<vmem>> -> memref<2x512xi32, #tpu.memory_space<vmem>>
        %dma_wait3A_55 = arith.constant 0 : i32
        %dma_wait3A_56 = arith.constant 319488 : i32
        %dma_wait3A_57 = tpu.memref_slice %arg2[%dma_wait3A_55, %dma_wait3A_56] : memref<2x320000xi32, #tpu.memory_space<hbm>> -> memref<2x512xi32, #tpu.memory_space<hbm>>
        %dma_wait3A_58 = arith.constant 0 : i32
        %dma_wait3A_59 = arith.constant 19968 : i32
        %dma_wait3A_60 = tpu.memref_slice %arg5[%dma_wait3A_58, %dma_wait3A_59] : memref<2x20480xi32, #tpu.memory_space<vmem>> -> memref<2x512xi32, #tpu.memory_space<vmem>>
        %dma_wait3A_61 = arith.constant 0 : i32
        %dma_wait3A_62 = arith.constant 319488 : i32
        %dma_wait3A_63 = tpu.memref_slice %arg2[%dma_wait3A_61, %dma_wait3A_62] : memref<2x320000xi32, #tpu.memory_space<hbm>> -> memref<2x512xi32, #tpu.memory_space<hbm>>
        tpu.wait_dma2 semaphore(%run_scoped3A_39 : memref<!tpu.dma_semaphore, #tpu.memory_space<semaphore_mem>>) src(%dma_wait3A_63 : memref<2x512xi32, #tpu.memory_space<hbm>>) dst(%dma_wait3A_60 : memref<2x512xi32, #tpu.memory_space<vmem>>)
        tpu.yield
      }) : () -> ()
    } else {
    }
    %parallel_loop3A_29 = arith.constant 0 : i32
    %parallel_loop3A_30 = arith.constant 1280 : i32
    %parallel_loop3A_31 = arith.constant 1 : i32
    scf.for %parallel_loop3A_39 = %parallel_loop3A_29 to %parallel_loop3A_30 step %parallel_loop3A_31  : i32 {
      %parallel_loop3A_40 = arith.constant 16 : i32
      %parallel_loop3A_41 = arith.muli %parallel_loop3A_39, %parallel_loop3A_40 : i32
      %parallel_loop3A_42 = arith.constant 1 : i32
      %parallel_loop3A_43 = arith.index_cast %parallel_loop3A_42 : i32 to index
      %parallel_loop3A_44 = arith.index_cast %parallel_loop3A_41 : i32 to index
      %parallel_loop3A_45 = tpu.vector_load %arg5[%parallel_loop3A_43, %parallel_loop3A_44] {strides = array<i32>} : memref<2x20480xi32, #tpu.memory_space<vmem>>, vector<16xi32>,
      tpu.vector_store_idx %arg6[%parallel_loop3A_45], %broadcast_in_dim3A_3 {add = true} : memref<10240xf32, #tpu.memory_space<vmem>>[vector<16xi32>], vector<16xf32>,
    } {sc.loop_unroll_factor = 8 : i64, sc.parallel_access}
    "tpu.region"() ({
      %run_scoped3A_39 = tpu.sem_alloc : memref<!tpu.dma_semaphore, #tpu.memory_space<semaphore_mem>>
      %dma_start3A_40 = arith.constant 0 : i32
      %dma_start3A_41 = tpu.memref_slice %arg11[%arg1, %dma_start3A_40] : memref<16x10240xf32, #tpu.memory_space<vmem_shared>> -> memref<1x10240xf32, #tpu.memory_space<vmem_shared>>
      %dma_start3A_42 = tpu.memref_squeeze %dma_start3A_41 : memref<1x10240xf32, #tpu.memory_space<vmem_shared>> -> memref<10240xf32, #tpu.memory_space<vmem_shared>>
      %dma_start3A_43 = arith.constant 0 : i32
      %dma_start3A_44 = tpu.memref_slice %arg11[%arg1, %dma_start3A_43] : memref<16x10240xf32, #tpu.memory_space<vmem_shared>> -> memref<1x10240xf32, #tpu.memory_space<vmem_shared>>
      %dma_start3A_45 = tpu.memref_squeeze %dma_start3A_44 : memref<1x10240xf32, #tpu.memory_space<vmem_shared>> -> memref<10240xf32, #tpu.memory_space<vmem_shared>>
      tpu.enqueue_dma source(%arg6 : memref<10240xf32, #tpu.memory_space<vmem>>) target(%dma_start3A_45 : memref<10240xf32, #tpu.memory_space<vmem_shared>>) target_semaphore(%run_scoped3A_39 : memref<!tpu.dma_semaphore, #tpu.memory_space<semaphore_mem>>)
      %dma_wait3A_46 = arith.constant 0 : i32
      %dma_wait3A_47 = tpu.memref_slice %arg11[%arg1, %dma_wait3A_46] : memref<16x10240xf32, #tpu.memory_space<vmem_shared>> -> memref<1x10240xf32, #tpu.memory_space<vmem_shared>>
      %dma_wait3A_48 = tpu.memref_squeeze %dma_wait3A_47 : memref<1x10240xf32, #tpu.memory_space<vmem_shared>> -> memref<10240xf32, #tpu.memory_space<vmem_shared>>
      %dma_wait3A_49 = arith.constant 0 : i32
      %dma_wait3A_50 = tpu.memref_slice %arg11[%arg1, %dma_wait3A_49] : memref<16x10240xf32, #tpu.memory_space<vmem_shared>> -> memref<1x10240xf32, #tpu.memory_space<vmem_shared>>
      %dma_wait3A_51 = tpu.memref_squeeze %dma_wait3A_50 : memref<1x10240xf32, #tpu.memory_space<vmem_shared>> -> memref<10240xf32, #tpu.memory_space<vmem_shared>>
      tpu.wait_dma2 semaphore(%run_scoped3A_39 : memref<!tpu.dma_semaphore, #tpu.memory_space<semaphore_mem>>) src(%arg6 : memref<10240xf32, #tpu.memory_space<vmem>>) dst(%dma_wait3A_51 : memref<10240xf32, #tpu.memory_space<vmem_shared>>)
      tpu.yield
    }) : () -> ()
    %barrier3A = arith.constant 0 : index
    tpu.barrier barrier_id(%barrier3A)
    "tpu.region"() ({
      %run_scoped3A_39 = tpu.sem_alloc : memref<!tpu.dma_semaphore, #tpu.memory_space<semaphore_mem>>
      %dma_start3A_40 = arith.constant 0 : i32
      %dma_start3A_41 = tpu.memref_slice %arg11[%dma_start3A_40, %mul3A_2] : memref<16x10240xf32, #tpu.memory_space<vmem_shared>> -> memref<16x640xf32, #tpu.memory_space<vmem_shared>>
      %dma_start3A_42 = arith.constant 0 : i32
      %dma_start3A_43 = tpu.memref_slice %arg11[%dma_start3A_42, %mul3A_2] : memref<16x10240xf32, #tpu.memory_space<vmem_shared>> -> memref<16x640xf32, #tpu.memory_space<vmem_shared>>
      tpu.enqueue_dma source(%dma_start3A_43 : memref<16x640xf32, #tpu.memory_space<vmem_shared>>) target(%arg9 : memref<16x640xf32, #tpu.memory_space<vmem>>) target_semaphore(%run_scoped3A_39 : memref<!tpu.dma_semaphore, #tpu.memory_space<semaphore_mem>>)
      %dma_wait3A_44 = arith.constant 0 : i32
      %dma_wait3A_45 = tpu.memref_slice %arg11[%dma_wait3A_44, %mul3A_2] : memref<16x10240xf32, #tpu.memory_space<vmem_shared>> -> memref<16x640xf32, #tpu.memory_space<vmem_shared>>
      %dma_wait3A_46 = arith.constant 0 : i32
      %dma_wait3A_47 = tpu.memref_slice %arg11[%dma_wait3A_46, %mul3A_2] : memref<16x10240xf32, #tpu.memory_space<vmem_shared>> -> memref<16x640xf32, #tpu.memory_space<vmem_shared>>
      tpu.wait_dma2 semaphore(%run_scoped3A_39 : memref<!tpu.dma_semaphore, #tpu.memory_space<semaphore_mem>>) src(%dma_wait3A_47 : memref<16x640xf32, #tpu.memory_space<vmem_shared>>) dst(%arg9 : memref<16x640xf32, #tpu.memory_space<vmem>>)
      tpu.yield
    }) : () -> ()
    %parallel_loop3A_32 = arith.constant 0 : i32
    %parallel_loop3A_33 = arith.constant 40 : i32
    %parallel_loop3A_34 = arith.constant 1 : i32
    scf.for %parallel_loop3A_39 = %parallel_loop3A_32 to %parallel_loop3A_33 step %parallel_loop3A_34  : i32 {
      %parallel_loop3A_40 = arith.constant 16 : i32
      %parallel_loop3A_41 = arith.muli %parallel_loop3A_39, %parallel_loop3A_40 : i32
      %parallel_loop3A_42 = arith.constant 1.000000e+00 : f32
      %parallel_loop3A_43 = vector.broadcast %parallel_loop3A_42 : f32 to vector<16xf32>
      %parallel_loop3A_44 = arith.constant 0 : i32
      %parallel_loop3A_45 = arith.index_cast %parallel_loop3A_44 : i32 to index
      %parallel_loop3A_46 = arith.index_cast %parallel_loop3A_41 : i32 to index
      %parallel_loop3A_47 = tpu.vector_load %arg9[%parallel_loop3A_45, %parallel_loop3A_46] {strides = array<i32>} : memref<16x640xf32, #tpu.memory_space<vmem>>, vector<16xf32>,
      %parallel_loop3A_48 = arith.addf %parallel_loop3A_43, %parallel_loop3A_47 : vector<16xf32>
      %parallel_loop3A_49 = arith.constant 1 : i32
      %parallel_loop3A_50 = arith.index_cast %parallel_loop3A_49 : i32 to index
      %parallel_loop3A_51 = arith.index_cast %parallel_loop3A_41 : i32 to index
      %parallel_loop3A_52 = tpu.vector_load %arg9[%parallel_loop3A_50, %parallel_loop3A_51] {strides = array<i32>} : memref<16x640xf32, #tpu.memory_space<vmem>>, vector<16xf32>,
      %parallel_loop3A_53 = arith.addf %parallel_loop3A_48, %parallel_loop3A_52 : vector<16xf32>
      %parallel_loop3A_54 = arith.constant 2 : i32
      %parallel_loop3A_55 = arith.index_cast %parallel_loop3A_54 : i32 to index
      %parallel_loop3A_56 = arith.index_cast %parallel_loop3A_41 : i32 to index
      %parallel_loop3A_57 = tpu.vector_load %arg9[%parallel_loop3A_55, %parallel_loop3A_56] {strides = array<i32>} : memref<16x640xf32, #tpu.memory_space<vmem>>, vector<16xf32>,
      %parallel_loop3A_58 = arith.addf %parallel_loop3A_53, %parallel_loop3A_57 : vector<16xf32>
      %parallel_loop3A_59 = arith.constant 3 : i32
      %parallel_loop3A_60 = arith.index_cast %parallel_loop3A_59 : i32 to index
      %parallel_loop3A_61 = arith.index_cast %parallel_loop3A_41 : i32 to index
      %parallel_loop3A_62 = tpu.vector_load %arg9[%parallel_loop3A_60, %parallel_loop3A_61] {strides = array<i32>} : memref<16x640xf32, #tpu.memory_space<vmem>>, vector<16xf32>,
      %parallel_loop3A_63 = arith.addf %parallel_loop3A_58, %parallel_loop3A_62 : vector<16xf32>
      %parallel_loop3A_64 = arith.constant 4 : i32
      %parallel_loop3A_65 = arith.index_cast %parallel_loop3A_64 : i32 to index
      %parallel_loop3A_66 = arith.index_cast %parallel_loop3A_41 : i32 to index
      %parallel_loop3A_67 = tpu.vector_load %arg9[%parallel_loop3A_65, %parallel_loop3A_66] {strides = array<i32>} : memref<16x640xf32, #tpu.memory_space<vmem>>, vector<16xf32>,
      %parallel_loop3A_68 = arith.addf %parallel_loop3A_63, %parallel_loop3A_67 : vector<16xf32>
      %parallel_loop3A_69 = arith.constant 5 : i32
      %parallel_loop3A_70 = arith.index_cast %parallel_loop3A_69 : i32 to index
      %parallel_loop3A_71 = arith.index_cast %parallel_loop3A_41 : i32 to index
      %parallel_loop3A_72 = tpu.vector_load %arg9[%parallel_loop3A_70, %parallel_loop3A_71] {strides = array<i32>} : memref<16x640xf32, #tpu.memory_space<vmem>>, vector<16xf32>,
      %parallel_loop3A_73 = arith.addf %parallel_loop3A_68, %parallel_loop3A_72 : vector<16xf32>
      %parallel_loop3A_74 = arith.constant 6 : i32
      %parallel_loop3A_75 = arith.index_cast %parallel_loop3A_74 : i32 to index
      %parallel_loop3A_76 = arith.index_cast %parallel_loop3A_41 : i32 to index
      %parallel_loop3A_77 = tpu.vector_load %arg9[%parallel_loop3A_75, %parallel_loop3A_76] {strides = array<i32>} : memref<16x640xf32, #tpu.memory_space<vmem>>, vector<16xf32>,
      %parallel_loop3A_78 = arith.addf %parallel_loop3A_73, %parallel_loop3A_77 : vector<16xf32>
      %parallel_loop3A_79 = arith.constant 7 : i32
      %parallel_loop3A_80 = arith.index_cast %parallel_loop3A_79 : i32 to index
      %parallel_loop3A_81 = arith.index_cast %parallel_loop3A_41 : i32 to index
      %parallel_loop3A_82 = tpu.vector_load %arg9[%parallel_loop3A_80, %parallel_loop3A_81] {strides = array<i32>} : memref<16x640xf32, #tpu.memory_space<vmem>>, vector<16xf32>,
      %parallel_loop3A_83 = arith.addf %parallel_loop3A_78, %parallel_loop3A_82 : vector<16xf32>
      %parallel_loop3A_84 = arith.constant 8 : i32
      %parallel_loop3A_85 = arith.index_cast %parallel_loop3A_84 : i32 to index
      %parallel_loop3A_86 = arith.index_cast %parallel_loop3A_41 : i32 to index
      %parallel_loop3A_87 = tpu.vector_load %arg9[%parallel_loop3A_85, %parallel_loop3A_86] {strides = array<i32>} : memref<16x640xf32, #tpu.memory_space<vmem>>, vector<16xf32>,
      %parallel_loop3A_88 = arith.addf %parallel_loop3A_83, %parallel_loop3A_87 : vector<16xf32>
      %parallel_loop3A_89 = arith.constant 9 : i32
      %parallel_loop3A_90 = arith.index_cast %parallel_loop3A_89 : i32 to index
      %parallel_loop3A_91 = arith.index_cast %parallel_loop3A_41 : i32 to index
      %parallel_loop3A_92 = tpu.vector_load %arg9[%parallel_loop3A_90, %parallel_loop3A_91] {strides = array<i32>} : memref<16x640xf32, #tpu.memory_space<vmem>>, vector<16xf32>,
      %parallel_loop3A_93 = arith.addf %parallel_loop3A_88, %parallel_loop3A_92 : vector<16xf32>
      %parallel_loop3A_94 = arith.constant 10 : i32
      %parallel_loop3A_95 = arith.index_cast %parallel_loop3A_94 : i32 to index
      %parallel_loop3A_96 = arith.index_cast %parallel_loop3A_41 : i32 to index
      %parallel_loop3A_97 = tpu.vector_load %arg9[%parallel_loop3A_95, %parallel_loop3A_96] {strides = array<i32>} : memref<16x640xf32, #tpu.memory_space<vmem>>, vector<16xf32>,
      %parallel_loop3A_98 = arith.addf %parallel_loop3A_93, %parallel_loop3A_97 : vector<16xf32>
      %parallel_loop3A_99 = arith.constant 11 : i32
      %parallel_loop3A_100 = arith.index_cast %parallel_loop3A_99 : i32 to index
      %parallel_loop3A_101 = arith.index_cast %parallel_loop3A_41 : i32 to index
      %parallel_loop3A_102 = tpu.vector_load %arg9[%parallel_loop3A_100, %parallel_loop3A_101] {strides = array<i32>} : memref<16x640xf32, #tpu.memory_space<vmem>>, vector<16xf32>,
      %parallel_loop3A_103 = arith.addf %parallel_loop3A_98, %parallel_loop3A_102 : vector<16xf32>
      %parallel_loop3A_104 = arith.constant 12 : i32
      %parallel_loop3A_105 = arith.index_cast %parallel_loop3A_104 : i32 to index
      %parallel_loop3A_106 = arith.index_cast %parallel_loop3A_41 : i32 to index
      %parallel_loop3A_107 = tpu.vector_load %arg9[%parallel_loop3A_105, %parallel_loop3A_106] {strides = array<i32>} : memref<16x640xf32, #tpu.memory_space<vmem>>, vector<16xf32>,
      %parallel_loop3A_108 = arith.addf %parallel_loop3A_103, %parallel_loop3A_107 : vector<16xf32>
      %parallel_loop3A_109 = arith.constant 13 : i32
      %parallel_loop3A_110 = arith.index_cast %parallel_loop3A_109 : i32 to index
      %parallel_loop3A_111 = arith.index_cast %parallel_loop3A_41 : i32 to index
      %parallel_loop3A_112 = tpu.vector_load %arg9[%parallel_loop3A_110, %parallel_loop3A_111] {strides = array<i32>} : memref<16x640xf32, #tpu.memory_space<vmem>>, vector<16xf32>,
      %parallel_loop3A_113 = arith.addf %parallel_loop3A_108, %parallel_loop3A_112 : vector<16xf32>
      %parallel_loop3A_114 = arith.constant 14 : i32
      %parallel_loop3A_115 = arith.index_cast %parallel_loop3A_114 : i32 to index
      %parallel_loop3A_116 = arith.index_cast %parallel_loop3A_41 : i32 to index
      %parallel_loop3A_117 = tpu.vector_load %arg9[%parallel_loop3A_115, %parallel_loop3A_116] {strides = array<i32>} : memref<16x640xf32, #tpu.memory_space<vmem>>, vector<16xf32>,
      %parallel_loop3A_118 = arith.addf %parallel_loop3A_113, %parallel_loop3A_117 : vector<16xf32>
      %parallel_loop3A_119 = arith.constant 15 : i32
      %parallel_loop3A_120 = arith.index_cast %parallel_loop3A_119 : i32 to index
      %parallel_loop3A_121 = arith.index_cast %parallel_loop3A_41 : i32 to index
      %parallel_loop3A_122 = tpu.vector_load %arg9[%parallel_loop3A_120, %parallel_loop3A_121] {strides = array<i32>} : memref<16x640xf32, #tpu.memory_space<vmem>>, vector<16xf32>,
      %parallel_loop3A_123 = arith.addf %parallel_loop3A_118, %parallel_loop3A_122 : vector<16xf32>
      %parallel_loop3A_124 = tpu.bitcast %parallel_loop3A_123 : vector<16xf32> -> vector<16xi32>
      %parallel_loop3A_125 = arith.constant 1 : i32
      %parallel_loop3A_126 = vector.broadcast %parallel_loop3A_125 : i32 to vector<16xi32>
      %parallel_loop3A_127 = arith.shrsi %parallel_loop3A_124, %parallel_loop3A_126 : vector<16xi32>
      %parallel_loop3A_128 = arith.constant 1597463007 : i32
      %parallel_loop3A_129 = vector.broadcast %parallel_loop3A_128 : i32 to vector<16xi32>
      %parallel_loop3A_130 = arith.subi %parallel_loop3A_129, %parallel_loop3A_127 : vector<16xi32>
      %parallel_loop3A_131 = tpu.bitcast %parallel_loop3A_130 : vector<16xi32> -> vector<16xf32>
      %parallel_loop3A_132 = arith.constant 5.000000e-01 : f32
      %parallel_loop3A_133 = vector.broadcast %parallel_loop3A_132 : f32 to vector<16xf32>
      %parallel_loop3A_134 = arith.mulf %parallel_loop3A_133, %parallel_loop3A_123 : vector<16xf32>
      %parallel_loop3A_135 = arith.mulf %parallel_loop3A_134, %parallel_loop3A_131 : vector<16xf32>
      %parallel_loop3A_136 = arith.mulf %parallel_loop3A_135, %parallel_loop3A_131 : vector<16xf32>
      %parallel_loop3A_137 = arith.constant 1.500000e+00 : f32
      %parallel_loop3A_138 = vector.broadcast %parallel_loop3A_137 : f32 to vector<16xf32>
      %parallel_loop3A_139 = arith.subf %parallel_loop3A_138, %parallel_loop3A_136 : vector<16xf32>
      %parallel_loop3A_140 = arith.mulf %parallel_loop3A_131, %parallel_loop3A_139 : vector<16xf32>
      %parallel_loop3A_141 = arith.constant 5.000000e-01 : f32
      %parallel_loop3A_142 = vector.broadcast %parallel_loop3A_141 : f32 to vector<16xf32>
      %parallel_loop3A_143 = arith.mulf %parallel_loop3A_142, %parallel_loop3A_123 : vector<16xf32>
      %parallel_loop3A_144 = arith.mulf %parallel_loop3A_143, %parallel_loop3A_140 : vector<16xf32>
      %parallel_loop3A_145 = arith.mulf %parallel_loop3A_144, %parallel_loop3A_140 : vector<16xf32>
      %parallel_loop3A_146 = arith.constant 1.500000e+00 : f32
      %parallel_loop3A_147 = vector.broadcast %parallel_loop3A_146 : f32 to vector<16xf32>
      %parallel_loop3A_148 = arith.subf %parallel_loop3A_147, %parallel_loop3A_145 : vector<16xf32>
      %parallel_loop3A_149 = arith.mulf %parallel_loop3A_140, %parallel_loop3A_148 : vector<16xf32>
      %parallel_loop3A_150 = arith.constant 5.000000e-01 : f32
      %parallel_loop3A_151 = vector.broadcast %parallel_loop3A_150 : f32 to vector<16xf32>
      %parallel_loop3A_152 = arith.mulf %parallel_loop3A_151, %parallel_loop3A_123 : vector<16xf32>
      %parallel_loop3A_153 = arith.mulf %parallel_loop3A_152, %parallel_loop3A_149 : vector<16xf32>
      %parallel_loop3A_154 = arith.mulf %parallel_loop3A_153, %parallel_loop3A_149 : vector<16xf32>
      %parallel_loop3A_155 = arith.constant 1.500000e+00 : f32
      %parallel_loop3A_156 = vector.broadcast %parallel_loop3A_155 : f32 to vector<16xf32>
      %parallel_loop3A_157 = arith.subf %parallel_loop3A_156, %parallel_loop3A_154 : vector<16xf32>
      %parallel_loop3A_158 = arith.mulf %parallel_loop3A_149, %parallel_loop3A_157 : vector<16xf32>
      %parallel_loop3A_159 = arith.index_cast %parallel_loop3A_41 : i32 to index
      %parallel_loop3A_160 = tpu.vector_load %arg10[%parallel_loop3A_159] {strides = array<i32>} : memref<640xf32, #tpu.memory_space<vmem>>, vector<16xf32>,
      tpu.vector_store %arg10[%parallel_loop3A_159], %parallel_loop3A_158 {strides = array<i32>} : memref<640xf32, #tpu.memory_space<vmem>>, vector<16xf32>,
    } {sc.loop_unroll_factor = 4 : i64, sc.parallel_access}
    "tpu.region"() ({
      %run_scoped3A_39 = tpu.sem_alloc : memref<!tpu.dma_semaphore, #tpu.memory_space<semaphore_mem>>
      %dma_start3A_40 = tpu.memref_slice %arg12[%mul3A_2] : memref<10240xf32, #tpu.memory_space<vmem_shared>> -> memref<640xf32, #tpu.memory_space<vmem_shared>>
      %dma_start3A_41 = tpu.memref_slice %arg12[%mul3A_2] : memref<10240xf32, #tpu.memory_space<vmem_shared>> -> memref<640xf32, #tpu.memory_space<vmem_shared>>
      tpu.enqueue_dma source(%arg10 : memref<640xf32, #tpu.memory_space<vmem>>) target(%dma_start3A_41 : memref<640xf32, #tpu.memory_space<vmem_shared>>) target_semaphore(%run_scoped3A_39 : memref<!tpu.dma_semaphore, #tpu.memory_space<semaphore_mem>>)
      %dma_wait3A_42 = tpu.memref_slice %arg12[%mul3A_2] : memref<10240xf32, #tpu.memory_space<vmem_shared>> -> memref<640xf32, #tpu.memory_space<vmem_shared>>
      %dma_wait3A_43 = tpu.memref_slice %arg12[%mul3A_2] : memref<10240xf32, #tpu.memory_space<vmem_shared>> -> memref<640xf32, #tpu.memory_space<vmem_shared>>
      tpu.wait_dma2 semaphore(%run_scoped3A_39 : memref<!tpu.dma_semaphore, #tpu.memory_space<semaphore_mem>>) src(%arg10 : memref<640xf32, #tpu.memory_space<vmem>>) dst(%dma_wait3A_43 : memref<640xf32, #tpu.memory_space<vmem_shared>>)
      tpu.yield
    }) : () -> ()
    %run_scoped3A = arith.constant 0 : i32
    "tpu.region"() ({
      %run_scoped3A_39 = tpu.sem_alloc : memref<!tpu.dma_semaphore, #tpu.memory_space<semaphore_mem>>
      %dma_start3A_40 = tpu.memref_slice %arg3[%run_scoped3A, %mul3A_2] : memref<1x10240xf32, #tpu.memory_space<hbm>> -> memref<1x640xf32, #tpu.memory_space<hbm>>
      %dma_start3A_41 = tpu.memref_squeeze %dma_start3A_40 : memref<1x640xf32, #tpu.memory_space<hbm>> -> memref<640xf32, #tpu.memory_space<hbm>>
      %dma_start3A_42 = tpu.memref_slice %arg3[%run_scoped3A, %mul3A_2] : memref<1x10240xf32, #tpu.memory_space<hbm>> -> memref<1x640xf32, #tpu.memory_space<hbm>>
      %dma_start3A_43 = tpu.memref_squeeze %dma_start3A_42 : memref<1x640xf32, #tpu.memory_space<hbm>> -> memref<640xf32, #tpu.memory_space<hbm>>
      tpu.enqueue_dma source(%arg10 : memref<640xf32, #tpu.memory_space<vmem>>) target(%dma_start3A_43 : memref<640xf32, #tpu.memory_space<hbm>>) target_semaphore(%run_scoped3A_39 : memref<!tpu.dma_semaphore, #tpu.memory_space<semaphore_mem>>)
      %dma_wait3A_44 = tpu.memref_slice %arg3[%run_scoped3A, %mul3A_2] : memref<1x10240xf32, #tpu.memory_space<hbm>> -> memref<1x640xf32, #tpu.memory_space<hbm>>
      %dma_wait3A_45 = tpu.memref_squeeze %dma_wait3A_44 : memref<1x640xf32, #tpu.memory_space<hbm>> -> memref<640xf32, #tpu.memory_space<hbm>>
      %dma_wait3A_46 = tpu.memref_slice %arg3[%run_scoped3A, %mul3A_2] : memref<1x10240xf32, #tpu.memory_space<hbm>> -> memref<1x640xf32, #tpu.memory_space<hbm>>
      %dma_wait3A_47 = tpu.memref_squeeze %dma_wait3A_46 : memref<1x640xf32, #tpu.memory_space<hbm>> -> memref<640xf32, #tpu.memory_space<hbm>>
      tpu.wait_dma2 semaphore(%run_scoped3A_39 : memref<!tpu.dma_semaphore, #tpu.memory_space<semaphore_mem>>) src(%arg10 : memref<640xf32, #tpu.memory_space<vmem>>) dst(%dma_wait3A_47 : memref<640xf32, #tpu.memory_space<hbm>>)
      tpu.yield
    }) : () -> ()
    %barrier3A_35 = arith.constant 0 : index
    tpu.barrier barrier_id(%barrier3A_35)
    "tpu.region"() ({
      %run_scoped3A_39 = tpu.sem_alloc : memref<!tpu.dma_semaphore, #tpu.memory_space<semaphore_mem>>
      tpu.enqueue_dma source(%arg12 : memref<10240xf32, #tpu.memory_space<vmem_shared>>) target(%arg8 : memref<10240xf32, #tpu.memory_space<vmem>>) target_semaphore(%run_scoped3A_39 : memref<!tpu.dma_semaphore, #tpu.memory_space<semaphore_mem>>)
      tpu.wait_dma2 semaphore(%run_scoped3A_39 : memref<!tpu.dma_semaphore, #tpu.memory_space<semaphore_mem>>) src(%arg12 : memref<10240xf32, #tpu.memory_space<vmem_shared>>) dst(%arg8 : memref<10240xf32, #tpu.memory_space<vmem>>)
      tpu.yield
    }) : () -> ()
    %parallel_loop3A_36 = arith.constant 0 : i32
    %parallel_loop3A_37 = arith.constant 1280 : i32
    %parallel_loop3A_38 = arith.constant 1 : i32
    scf.for %parallel_loop3A_39 = %parallel_loop3A_36 to %parallel_loop3A_37 step %parallel_loop3A_38  : i32 {
      %parallel_loop3A_40 = arith.constant 16 : i32
      %parallel_loop3A_41 = arith.muli %parallel_loop3A_39, %parallel_loop3A_40 : i32
      %parallel_loop3A_42 = arith.constant 1 : i32
      %parallel_loop3A_43 = arith.index_cast %parallel_loop3A_42 : i32 to index
      %parallel_loop3A_44 = arith.index_cast %parallel_loop3A_41 : i32 to index
      %parallel_loop3A_45 = tpu.vector_load %arg5[%parallel_loop3A_43, %parallel_loop3A_44] {strides = array<i32>} : memref<2x20480xi32, #tpu.memory_space<vmem>>, vector<16xi32>,
      %parallel_loop3A_46 = arith.constant 16 : i32
      %parallel_loop3A_47 = arith.muli %parallel_loop3A_39, %parallel_loop3A_46 : i32
      %parallel_loop3A_48 = arith.constant 0 : i32
      %parallel_loop3A_49 = arith.index_cast %parallel_loop3A_48 : i32 to index
      %parallel_loop3A_50 = arith.index_cast %parallel_loop3A_47 : i32 to index
      %parallel_loop3A_51 = tpu.vector_load %arg5[%parallel_loop3A_49, %parallel_loop3A_50] {strides = array<i32>} : memref<2x20480xi32, #tpu.memory_space<vmem>>, vector<16xi32>,
      %parallel_loop3A_52 = tpu.vector_load_idx %arg8[%parallel_loop3A_45] : memref<10240xf32, #tpu.memory_space<vmem>>[vector<16xi32>], vector<16xf32>,
      tpu.vector_store_idx %arg7[%parallel_loop3A_51], %parallel_loop3A_52 {add = true} : memref<10240xf32, #tpu.memory_space<vmem>>[vector<16xi32>], vector<16xf32>,
    } {sc.loop_unroll_factor = 8 : i64, sc.parallel_access}
    "tpu.region"() ({
      %run_scoped3A_39 = tpu.sem_alloc : memref<!tpu.dma_semaphore, #tpu.memory_space<semaphore_mem>>
      %dma_start3A_40 = arith.constant 0 : i32
      %dma_start3A_41 = tpu.memref_slice %arg4[%arg1, %dma_start3A_40] : memref<16x10240xf32, #tpu.memory_space<hbm>> -> memref<1x10240xf32, #tpu.memory_space<hbm>>
      %dma_start3A_42 = tpu.memref_squeeze %dma_start3A_41 : memref<1x10240xf32, #tpu.memory_space<hbm>> -> memref<10240xf32, #tpu.memory_space<hbm>>
      %dma_start3A_43 = arith.constant 0 : i32
      %dma_start3A_44 = tpu.memref_slice %arg4[%arg1, %dma_start3A_43] : memref<16x10240xf32, #tpu.memory_space<hbm>> -> memref<1x10240xf32, #tpu.memory_space<hbm>>
      %dma_start3A_45 = tpu.memref_squeeze %dma_start3A_44 : memref<1x10240xf32, #tpu.memory_space<hbm>> -> memref<10240xf32, #tpu.memory_space<hbm>>
      tpu.enqueue_dma source(%arg7 : memref<10240xf32, #tpu.memory_space<vmem>>) target(%dma_start3A_45 : memref<10240xf32, #tpu.memory_space<hbm>>) target_semaphore(%run_scoped3A_39 : memref<!tpu.dma_semaphore, #tpu.memory_space<semaphore_mem>>)
      %dma_wait3A_46 = arith.constant 0 : i32
      %dma_wait3A_47 = tpu.memref_slice %arg4[%arg1, %dma_wait3A_46] : memref<16x10240xf32, #tpu.memory_space<hbm>> -> memref<1x10240xf32, #tpu.memory_space<hbm>>
      %dma_wait3A_48 = tpu.memref_squeeze %dma_wait3A_47 : memref<1x10240xf32, #tpu.memory_space<hbm>> -> memref<10240xf32, #tpu.memory_space<hbm>>
      %dma_wait3A_49 = arith.constant 0 : i32
      %dma_wait3A_50 = tpu.memref_slice %arg4[%arg1, %dma_wait3A_49] : memref<16x10240xf32, #tpu.memory_space<hbm>> -> memref<1x10240xf32, #tpu.memory_space<hbm>>
      %dma_wait3A_51 = tpu.memref_squeeze %dma_wait3A_50 : memref<1x10240xf32, #tpu.memory_space<hbm>> -> memref<10240xf32, #tpu.memory_space<hbm>>
      tpu.wait_dma2 semaphore(%run_scoped3A_39 : memref<!tpu.dma_semaphore, #tpu.memory_space<semaphore_mem>>) src(%arg7 : memref<10240xf32, #tpu.memory_space<vmem>>) dst(%dma_wait3A_51 : memref<10240xf32, #tpu.memory_space<hbm>>)
      tpu.yield
    }) : () -> ()
    return
  }
}

module attributes {stable_mosaic.version = 14 : i64} {
  func.func @_tc_a_body(%arg0: memref<10000x128xf32, #tpu.memory_space<vmem>>, %arg1: memref<128x128xf32, #tpu.memory_space<vmem>>, %arg2: memref<128x1xf32, #tpu.memory_space<vmem>>, %arg3: memref<10000x128xbf16, #tpu.memory_space<vmem>>) attributes {dimension_semantics = [], scalar_prefetch = 0 : i64, scratch_operands = 0 : i64, tpu.core_type = #tpu.core_type<tc>} {
    %get3A = arith.constant 0 : index
    %get3A_0 = arith.constant 0 : index
    %get3A_1 = vector.load %arg0[%get3A, %get3A_0] : memref<10000x128xf32, #tpu.memory_space<vmem>>, vector<10000x128xf32>
    %get3A_2 = arith.constant 0 : index
    %get3A_3 = arith.constant 0 : index
    %get3A_4 = vector.load %arg1[%get3A_2, %get3A_3] : memref<128x128xf32, #tpu.memory_space<vmem>>, vector<128x128xf32>
    %dot_general3A = arith.constant dense<0.000000e+00> : vector<10000x128xf32>
    %dot_general3A_5 = tpu.matmul %get3A_1, %get3A_4, %dot_general3A {dimension_numbers = #tpu.dot_dimension_numbers<[1], [0], [0], [1], [0, 0, 1, 1], [], []>, transpose_lhs_hint = false} : vector<10000x128xf32>, vector<128x128xf32>, vector<10000x128xf32> -> vector<10000x128xf32>
    %get3A_6 = arith.constant 0 : index
    %get3A_7 = arith.constant 0 : index
    %get3A_8 = vector.load %arg2[%get3A_6, %get3A_7] : memref<128x1xf32, #tpu.memory_space<vmem>>, vector<128x1xf32>
    %dot_general3A_9 = arith.constant dense<0.000000e+00> : vector<10000x1xf32>
    %dot_general3A_10 = tpu.matmul %dot_general3A_5, %get3A_8, %dot_general3A_9 {dimension_numbers = #tpu.dot_dimension_numbers<[1], [0], [0], [1], [0, 0, 1, 1], [], []>, transpose_lhs_hint = false} : vector<10000x128xf32>, vector<128x1xf32>, vector<10000x1xf32> -> vector<10000x1xf32>
    %gt3A = arith.constant 0.000000e+00 : f32
    %gt3A_11 = vector.broadcast %gt3A : f32 to vector<10000x1xf32>
    %gt3A_12 = arith.cmpf ogt, %dot_general3A_10, %gt3A_11 : vector<10000x1xf32>
    %mul3A = arith.constant 2.000000e-01 : f32
    %mul3A_13 = vector.broadcast %mul3A : f32 to vector<10000x1xf32>
    %mul3A_14 = arith.mulf %mul3A_13, %dot_general3A_10 : vector<10000x1xf32>
    %select_n3A = arith.select %gt3A_12, %dot_general3A_10, %mul3A_14 : vector<10000x1xi1>, vector<10000x1xf32>
    %reduce_max3A = vector.shape_cast %select_n3A : vector<10000x1xf32> to vector<1x10000x1xf32>
    %reduce_max3A_15 = arith.constant dense<0xFF800000> : vector<1xf32>
    %reduce_max3A_16 = vector.multi_reduction <maximumf>, %reduce_max3A, %reduce_max3A_15 [1, 2] : vector<1x10000x1xf32> to vector<1xf32>
    %reduce_max3A_17 = vector.shape_cast %reduce_max3A_16 : vector<1xf32> to vector<1x1x1xf32>
    %reduce_max3A_18 = vector.extract %reduce_max3A_17[0, 0, 0] : f32 from vector<1x1x1xf32>
    %sub3A = vector.broadcast %reduce_max3A_18 : f32 to vector<10000x1xf32>
    %sub3A_19 = arith.subf %select_n3A, %sub3A : vector<10000x1xf32>
    %exp3A = math.exp %sub3A_19 : vector<10000x1xf32>
    %reduce_sum3A = vector.shape_cast %exp3A : vector<10000x1xf32> to vector<1x10000x1xf32>
    %reduce_sum3A_20 = arith.constant dense<0.000000e+00> : vector<1xf32>
    %reduce_sum3A_21 = vector.multi_reduction <add>, %reduce_sum3A, %reduce_sum3A_20 [1, 2] : vector<1x10000x1xf32> to vector<1xf32>
    %reduce_sum3A_22 = vector.shape_cast %reduce_sum3A_21 : vector<1xf32> to vector<1x1x1xf32>
    %reduce_sum3A_23 = vector.extract %reduce_sum3A_22[0, 0, 0] : f32 from vector<1x1x1xf32>
    %div3A = arith.constant 1.000000e+00 : f32
    %div3A_24 = arith.divf %div3A, %reduce_sum3A_23 : f32
    %mul3A_25 = vector.broadcast %div3A_24 : f32 to vector<10000x1xf32>
    %mul3A_26 = arith.mulf %exp3A, %mul3A_25 : vector<10000x1xf32>
    %mul3A_27 = vector.broadcast %mul3A_26 : vector<10000x1xf32> to vector<10000x128xf32>
    %mul3A_28 = arith.mulf %mul3A_27, %dot_general3A_5 : vector<10000x128xf32>
    %gt3A_29 = arith.constant 0.000000e+00 : f32
    %gt3A_30 = vector.broadcast %gt3A_29 : f32 to vector<10000x128xf32>
    %gt3A_31 = arith.cmpf ogt, %mul3A_28, %gt3A_30 : vector<10000x128xf32>
    %exp3A_32 = math.exp %mul3A_28 : vector<10000x128xf32>
    %sub3A_33 = arith.constant 1.000000e+00 : f32
    %sub3A_34 = vector.broadcast %sub3A_33 : f32 to vector<10000x128xf32>
    %sub3A_35 = arith.subf %exp3A_32, %sub3A_34 : vector<10000x128xf32>
    %select_n3A_36 = arith.select %gt3A_31, %mul3A_28, %sub3A_35 : vector<10000x128xi1>, vector<10000x128xf32>
    %convert_element_type3A = arith.truncf %select_n3A_36 : vector<10000x128xf32> to vector<10000x128xbf16>
    %swap3A = arith.constant 0 : index
    %swap3A_37 = arith.constant 0 : index
    %swap3A_38 = vector.load %arg3[%swap3A, %swap3A_37] : memref<10000x128xbf16, #tpu.memory_space<vmem>>, vector<10000x128xbf16>
    tpu.vector_store %arg3[%swap3A, %swap3A_37], %convert_element_type3A {strides = array<i32>} : memref<10000x128xbf16, #tpu.memory_space<vmem>>, vector<10000x128xbf16>,
    return
  }
}

module attributes {stable_mosaic.version = 14 : i64} {
  func.func @_tc_b_body(%arg0: memref<10000x128xbf16, #tpu.memory_space<vmem>>, %arg1: memref<1x10240xf32, #tpu.memory_space<vmem>>, %arg2: memref<16x10240xf32, #tpu.memory_space<vmem>>, %arg3: memref<128x128xf32, #tpu.memory_space<vmem>>, %arg4: memref<1x128xf32, #tpu.memory_space<vmem>>, %arg5: memref<128x2xf32, #tpu.memory_space<vmem>>, %arg6: memref<1x2xf32, #tpu.memory_space<vmem>>, %arg7: memref<1x2xf32, #tpu.memory_space<vmem>>) attributes {dimension_semantics = [], scalar_prefetch = 0 : i64, scratch_operands = 0 : i64, tpu.core_type = #tpu.core_type<tc>} {
    %get3A = arith.constant 0 : index
    %get3A_0 = arith.constant 0 : index
    %get3A_1 = vector.load %arg1[%get3A, %get3A_0] : memref<1x10240xf32, #tpu.memory_space<vmem>>, vector<1x10240xf32>
    %get3A_2 = arith.constant 0 : index
    %get3A_3 = arith.constant 0 : index
    %get3A_4 = vector.load %arg2[%get3A_2, %get3A_3] : memref<16x10240xf32, #tpu.memory_space<vmem>>, vector<16x10240xf32>
    %reduce_sum3A = arith.constant dense<0.000000e+00> : vector<10240xf32>
    %reduce_sum3A_5 = vector.multi_reduction <add>, %get3A_4, %reduce_sum3A [0] : vector<16x10240xf32> to vector<10240xf32>
    %broadcast_in_dim3A = vector.shape_cast %reduce_sum3A_5 : vector<10240xf32> to vector<1x10240xf32>
    %add3A = arith.addf %broadcast_in_dim3A, %get3A_1 : vector<1x10240xf32>
    %mul3A = arith.mulf %get3A_1, %add3A : vector<1x10240xf32>
    %slice3A = vector.extract_strided_slice %mul3A {offsets = [0, 0], sizes = [1, 10000], strides = [1, 1]} : vector<1x10240xf32> to vector<1x10000xf32>
    %convert_element_type3A = arith.truncf %slice3A : vector<1x10000xf32> to vector<1x10000xbf16>
    %get3A_6 = arith.constant 0 : index
    %get3A_7 = arith.constant 0 : index
    %get3A_8 = vector.load %arg0[%get3A_6, %get3A_7] : memref<10000x128xbf16, #tpu.memory_space<vmem>>, vector<10000x128xbf16>
    %dot_general3A = arith.constant dense<0.000000e+00> : vector<1x128xf32>
    %dot_general3A_9 = tpu.matmul %convert_element_type3A, %get3A_8, %dot_general3A {dimension_numbers = #tpu.dot_dimension_numbers<[1], [0], [0], [1], [0, 0, 1, 1], [], []>, transpose_lhs_hint = false} : vector<1x10000xbf16>, vector<10000x128xbf16>, vector<1x128xf32> -> vector<1x128xf32>
    %get3A_10 = arith.constant 0 : index
    %get3A_11 = arith.constant 0 : index
    %get3A_12 = vector.load %arg3[%get3A_10, %get3A_11] : memref<128x128xf32, #tpu.memory_space<vmem>>, vector<128x128xf32>
    %dot_general3A_13 = arith.constant dense<0.000000e+00> : vector<1x128xf32>
    %dot_general3A_14 = tpu.matmul %dot_general3A_9, %get3A_12, %dot_general3A_13 {dimension_numbers = #tpu.dot_dimension_numbers<[1], [0], [0], [1], [0, 0, 1, 1], [], []>, transpose_lhs_hint = false} : vector<1x128xf32>, vector<128x128xf32>, vector<1x128xf32> -> vector<1x128xf32>
    %mul3A_15 = arith.constant 9.99999974E-5 : f32
    %mul3A_16 = vector.broadcast %mul3A_15 : f32 to vector<1x128xf32>
    %mul3A_17 = arith.mulf %dot_general3A_14, %mul3A_16 : vector<1x128xf32>
    %get3A_18 = arith.constant 0 : index
    %get3A_19 = arith.constant 0 : index
    %get3A_20 = vector.load %arg4[%get3A_18, %get3A_19] : memref<1x128xf32, #tpu.memory_space<vmem>>, vector<1x128xf32>
    %add3A_21 = arith.addf %mul3A_17, %get3A_20 : vector<1x128xf32>
    %get3A_22 = arith.constant 0 : index
    %get3A_23 = arith.constant 0 : index
    %get3A_24 = vector.load %arg5[%get3A_22, %get3A_23] : memref<128x2xf32, #tpu.memory_space<vmem>>, vector<128x2xf32>
    %dot_general3A_25 = arith.constant dense<0.000000e+00> : vector<1x2xf32>
    %dot_general3A_26 = tpu.matmul %add3A_21, %get3A_24, %dot_general3A_25 {dimension_numbers = #tpu.dot_dimension_numbers<[1], [0], [0], [1], [0, 0, 1, 1], [], []>, transpose_lhs_hint = false} : vector<1x128xf32>, vector<128x2xf32>, vector<1x2xf32> -> vector<1x2xf32>
    %get3A_27 = arith.constant 0 : index
    %get3A_28 = arith.constant 0 : index
    %get3A_29 = vector.load %arg6[%get3A_27, %get3A_28] : memref<1x2xf32, #tpu.memory_space<vmem>>, vector<1x2xf32>
    %add3A_30 = arith.addf %dot_general3A_26, %get3A_29 : vector<1x2xf32>
    %reduce_max3A = vector.shape_cast %add3A_30 : vector<1x2xf32> to vector<1x1x2xf32>
    %reduce_max3A_31 = arith.constant dense<0xFF800000> : vector<1xf32>
    %reduce_max3A_32 = vector.multi_reduction <maximumf>, %reduce_max3A, %reduce_max3A_31 [1, 2] : vector<1x1x2xf32> to vector<1xf32>
    %reduce_max3A_33 = vector.shape_cast %reduce_max3A_32 : vector<1xf32> to vector<1x1x1xf32>
    %reduce_max3A_34 = vector.extract %reduce_max3A_33[0, 0, 0] : f32 from vector<1x1x1xf32>
    %sub3A = vector.broadcast %reduce_max3A_34 : f32 to vector<1x2xf32>
    %sub3A_35 = arith.subf %add3A_30, %sub3A : vector<1x2xf32>
    %exp3A = math.exp %sub3A_35 : vector<1x2xf32>
    %reduce_sum3A_36 = vector.shape_cast %exp3A : vector<1x2xf32> to vector<1x1x2xf32>
    %reduce_sum3A_37 = arith.constant dense<0.000000e+00> : vector<1xf32>
    %reduce_sum3A_38 = vector.multi_reduction <add>, %reduce_sum3A_36, %reduce_sum3A_37 [1, 2] : vector<1x1x2xf32> to vector<1xf32>
    %reduce_sum3A_39 = vector.shape_cast %reduce_sum3A_38 : vector<1xf32> to vector<1x1x1xf32>
    %reduce_sum3A_40 = vector.extract %reduce_sum3A_39[0, 0, 0] : f32 from vector<1x1x1xf32>
    %div3A = arith.constant 1.000000e+00 : f32
    %div3A_41 = arith.divf %div3A, %reduce_sum3A_40 : f32
    %mul3A_42 = vector.broadcast %div3A_41 : f32 to vector<1x2xf32>
    %mul3A_43 = arith.mulf %exp3A, %mul3A_42 : vector<1x2xf32>
    %swap3A = arith.constant 0 : index
    %swap3A_44 = arith.constant 0 : index
    %swap3A_45 = vector.load %arg7[%swap3A, %swap3A_44] : memref<1x2xf32, #tpu.memory_space<vmem>>, vector<1x2xf32>
    tpu.vector_store %arg7[%swap3A, %swap3A_44], %mul3A_43 {strides = array<i32>} : memref<1x2xf32, #tpu.memory_space<vmem>>, vector<1x2xf32>,
    return
  }
}

</mosaic_0001>

<sc_bundles>
// kernel: kernel.5.cloned.1.call-start
scs
__scs_entry_jumppad:
0x0: {  	(pc) =	sbr.rel $0x88, $3  }
0x1: {  	(tag) =	ssettag $0x0;
	lr =	simm.s32 $0x1  }
0x2: {  	[smem:$0x3F99] =	sst lr;
	_ =	strace $0xD0000000  }
0x3: {  	_ = 	snop  }
0x4: {  	_ = 	snop  }
0x5: {  	_ = 	snop  }
0x6: {  	_ = 	snop  }
0x7: {  	_ = 	snop  }
__scs_overlays_trampoline_lowered:
0x8: {  	[smem:$0x3FA8] =	sst s0  }
0x9: {  	[smem:$0x3FA9] =	sst s1  }
0xa: {  	[smem:$0x3FAA] =	sst s2  }
0xb: {  	[smem:$0x3FAB] =	sst s3  }
0xc: {  	[smem:$0x3FAC] =	sst s4  }
0xd: {  	[smem:$0x3FAD] =	sst s5  }
0xe: {  	[smem:$0x3FAE] =	sst s6  }
0xf: {  	[smem:$0x3FAF] =	sst s7  }
0x10: {  	[smem:$0x3FB0] =	sst s8  }
0x11: {  	[smem:$0x3FB1] =	sst s9;
	s0 =	simm.s32 @!p0 $0x0  }
0x12: {  	s1 =	sld [smem:$0x3F97];
	s0 =	simm.s32 @p0 $0x1  }
0x13: {  	[smem:$0x3FB2] =	sst s0;
	s0 =	simm.s32 @!p1 $0x0  }
0x14: {  	s2 =	sld [smem:$0x3F96];
	s0 =	simm.s32 @p1 $0x1  }
0x15: {  	[smem:$0x3FB3] =	sst s0;
	s0 =	simm.s32 @!p2 $0x0  }
0x16: {  	s3 =	sld [smem:$0x3FDB];
	s0 =	simm.s32 @p2 $0x1  }
0x17: {  	s4 =	simm.s32 $0x1BF5;
	[smem:$0x3FB5] =	sst s0  }
0x18: {  	s0 =	sld [smem:$0x3F98];
	_ =	swait.ge [sflag:s4], $0x0  }
0x19: {  	s7 =	sld [smem:$0x3F99]  }
0x1a: {  	s8 =	sadd.s32 $0xFFFFE003, lr  }
0x1b: {  	s9 =	sadd.s32 $0xFFFFFEF7, lr;
	s5 =	simm.s32 $0xFFFFFFFF;
	p2 =	slt.u32 s8, $0xFFFFF086  }
0x1c: {  	p1 =	slt.u32 s9, $0xF7A;
	s5 =	simm.s32 @!p2 $0x0  }
0x1d: {  	s5 =	simm.s32 @p1 $0x1;
	p0 =	seq.s32 s7, s2  }
0x1e: {  	s7 =	smul.u32 @!p0 $0xF7A, s2;
	p2 =	seq.s32 @!p0 s5, $0x0  }
0x1f: {  	s9 =	smul.u32 $0xF7A, s1;
	s8 =	simm.s32 @!p0 $0x1BF5;
	p2 =	por !p2, p0  }
0x20: {  	[sflag:s8] =	ssyncset.s32 @!p0 $0xFFFFF086;
	s6 =	sadd.s32 @!p0 s3, s7;
	s7 =	simm.s32 @!p0 $0x108  }
0x21: {  	s3 =	sadd.s32 s3, s9;
	s6 =	sadd.s32 @!p0 $0x88, s6;
	s7 =	simm.s32 @p2 $0x1082  }
0x22: {  	[simem:s7], [sflag:s8] =	dma.local @!p0 [hbm:s6], $0xF7A  }
0x23: {  	s9 =	sor.u32 $0xD0000000, s2;
	s6 =	simm.s32 $0x108;
	_ =	swait.ge @!p0 [sflag:s8], $0x0  }
0x24: {  	s3 =	sadd.s32 $0x88, s3;
	s6 =	simm.s32 @!p1 $0x1082;
	[sflag:s4] =	ssyncset.s32 $0xFFFFF086  }
0x25: {  	[simem:s6], [sflag:s4] =	dma.local [hbm:s3], $0xF7A  }
0x26: {  	[smem:$0x3F99] =	sst s1;
	(tag) =	ssettag s2;
	_ =	strace s9  }
0x27: {  	s1 =	sld [smem:$0x3FA9]  }
0x28: {  	s2 =	sld [smem:$0x3FAA]  }
0x29: {  	s4 =	sld [smem:$0x3FAC]  }
0x2a: {  	p0 =	seq.s32 s5, $0x0;
	s5 =	sld [smem:$0x3FAD]  }
0x2b: {  	s6 =	sld [smem:$0x3FAE]  }
0x2c: {  	s7 =	sld [smem:$0x3FAF]  }
0x2d: {  	s3 =	simm.s32 $0x108;
	s8 =	sld [smem:$0x3FB0]  }
0x2e: {  	s3 =	simm.s32 @!p0 $0x1082;
	s9 =	sld [smem:$0x3FB1]  }
0x2f: {  	lr =	sadd.s32 s0, s3;
	s0 =	sld [smem:$0x3FA8]  }
0x30: {  	s3 =	sld [smem:$0x3FAB]  }
0x31: {  	[smem:$0x3FB4] =	sst s10  }
0x32: {  	s10 =	sld [smem:$0x3FB2];
	_ =	sdelay $0x3  }
0x33: {  	p0 =	seq.s32 s10, $0x1;
	s10 =	sld [smem:$0x3FB4];
	_ =	sdelay $0x3  }
0x34: {  	[smem:$0x3FB4] =	sst s10  }
0x35: {  	s10 =	sld [smem:$0x3FB3];
	_ =	sdelay $0x3  }
0x36: {  	p1 =	seq.s32 s10, $0x1;
	s10 =	sld [smem:$0x3FB4];
	_ =	sdelay $0x3  }
0x37: {  	[smem:$0x3FB4] =	sst s10  }
0x38: {  	s10 =	sld [smem:$0x3FB5]  }
0x39: {  	_ = 	snop;
	(pc) =	sbr.ind lr, $3  }
0x3a: {  	_ = 	snop  }
0x3b: {  	_ = 	snop  }
0x3c: {  	p2 =	seq.s32 s10, $0x1;
	s10 =	sld [smem:$0x3FB4]  }
0x3d: {  	_ =	shalt  }
0x3e: {  	_ =	shalt  }
0x3f: {  	_ =	shalt  }
0x40: {  	_ =	shalt  }
0x41: {  	_ =	shalt  }
0x42: {  	_ =	shalt  }
0x43: {  	_ =	shalt  }
0x44: {  	_ =	shalt  }
0x45: {  	_ =	shalt  }
0x46: {  	_ =	shalt  }
0x47: {  	_ =	shalt  }
0x48: {  	_ =	shalt  }
0x49: {  	_ =	shalt  }
0x4a: {  	_ =	shalt  }
0x4b: {  	_ =	shalt  }
0x4c: {  	_ =	shalt  }
0x4d: {  	_ =	shalt  }
0x4e: {  	_ =	shalt  }
0x4f: {  	_ =	shalt  }
0x50: {  	_ =	shalt  }
0x51: {  	_ =	shalt  }
0x52: {  	_ =	shalt  }
0x53: {  	_ =	shalt  }
0x54: {  	_ =	shalt  }
0x55: {  	_ =	shalt  }
0x56: {  	_ =	shalt  }
0x57: {  	_ =	shalt  }
0x58: {  	_ =	shalt  }
0x59: {  	_ =	shalt  }
0x5a: {  	_ =	shalt  }
0x5b: {  	_ =	shalt  }
0x5c: {  	_ =	shalt  }
0x5d: {  	_ =	shalt  }
0x5e: {  	_ =	shalt  }
0x5f: {  	_ =	shalt  }
0x60: {  	_ =	shalt  }
0x61: {  	_ =	shalt  }
0x62: {  	_ =	shalt  }
0x63: {  	_ =	shalt  }
0x64: {  	_ =	shalt  }
0x65: {  	_ =	shalt  }
0x66: {  	_ =	shalt  }
0x67: {  	_ =	shalt  }
0x68: {  	_ =	shalt  }
0x69: {  	_ =	shalt  }
0x6a: {  	_ =	shalt  }
0x6b: {  	_ =	shalt  }
0x6c: {  	_ =	shalt  }
0x6d: {  	_ =	shalt  }
0x6e: {  	_ =	shalt  }
0x6f: {  	_ =	shalt  }
0x70: {  	_ =	shalt  }
0x71: {  	_ =	shalt  }
0x72: {  	_ =	shalt  }
0x73: {  	_ =	shalt  }
0x74: {  	_ =	shalt  }
0x75: {  	_ =	shalt  }
0x76: {  	_ =	shalt  }
0x77: {  	_ =	shalt  }
0x78: {  	_ =	shalt  }
0x79: {  	_ =	shalt  }
0x7a: {  	_ =	shalt  }
0x7b: {  	_ =	shalt  }
0x7c: {  	_ =	shalt  }
0x7d: {  	_ =	shalt  }
0x7e: {  	_ =	shalt  }
0x7f: {  	_ =	shalt  }
0x80: {  	_ =	shalt  }
0x81: {  	_ =	shalt  }
0x82: {  	_ =	shalt  }
0x83: {  	_ =	shalt  }
0x84: {  	_ =	shalt  }
0x85: {  	_ =	shalt  }
0x86: {  	_ =	shalt  }
0x87: {  	_ =	shalt  }
.Lfunc_end0:
.L_simem_size_0:
called_computation_lowered:
.L_overlay_start_0:
0x88: {  	s0 =	sld [smem:$0x3FD9]  }
0x89: {  	s1 =	sld [smem:$0x3FFE];
	_ =	sdelay $0x3  }
0x8a: {  	s0 =	sadd.s32 s1, s0  }
0x8b: {  	[smem:$0x3FC0] =	sst s0  }
0x8c: {  	_ = 	snop  }
0x8d: {  	s0 =	sld [smem:$0x3FC8];
	(tm) =	ssettm $0x1  }
0x8e: {  	s16 =	sld [smem:$0x3FFB];
	_ =	sdelay $0x3  }
0x8f: {  	_ =	strace s16  }
0x90: {  	s1 =	sld [smem:$0x3FFC];
	_ =	sdelay $0x3  }
0x91: {  	_ =	strace s1  }
0x92: {  	s1 =	sld [smem:$0x3FFD];
	_ =	sdelay $0x3  }
0x93: {  	_ =	strace s1  }
0x94: {  	_ =	strace $0x8FFFFFFF  }
0x95: {  	s17 =	sld [smem:$0x3FDB];
	_ =	sdelay $0x1  }
0x96: {  	s2 =	simm.s32 $_scs_section_size  }
0x97: {  	s3 =	simm.s32 $_size__tile_overlayer_lowered;
	s4 =	simm.s32 $_tile_overlayer_lowered  }
0x98: {  	s20 =	simm.s32 $0x1BFF;
	s19 =	sshll.u32 s4, $0x1;
	s1 =	sadd.s32 s2, s17  }
0x99: {  	s5 =	simm.s32 $0x0;
	s18 =	sshll.u32 s3, $0x1;
	s3 =	sadd.s32 s19, s1  }
0x9a: {  	[timem:s5], [sflag:s20] =	dma.local [hbm:s3], s18  }
0x9b: {  	_ =	swait.ge [sflag:s20], s18  }
0x9c: {  	s2 =	ssub.s32 $0x0, s18;
	[sflag:s20] =	ssyncset.done $0x0  }
0x9d: {  	[sflag:s20] =	ssyncadd.s32 s2;
	_ =	sdelay $0x1  }
0x9e: {  	s21 =	simm.s32 $0x1B8B  }
0x9f: {  	_ =	swait.ge [sflag:s21], $0x1  }
0xa0: {  	[sflag:s21] =	ssyncset.done $0x0  }
0xa1: {  	s23 =	simm.s32 $0x1B8E;
	s22 =	sld [smem:$0x3FFE];
	[sflag:s21] =	ssyncadd.s32 $0xFFFFFFFF  }
0xa2: {  	s24 =	simm.s32 $execute0_lowered;
	[smem:$0x3FD2] =	sst s23  }
0xa3: {  	s3 =	sshll.u32 s24, $0x1;
	_ =	strace $0x80000046;
	[dreg:$0x1] =	wrdreg $0xFFFFFFFF  }
0xa4: {  	s25 =	simm.s32 $_size_execute0_lowered;
	s1 =	sadd.s32 s1, s3;
	[dreg:$0x0] =	wrdreg $0x0  }
0xa5: {  	s3 =	sshll.u32 s25, $0x1;
	[dreg:$0x2] =	wrdreg s1  }
0xa6: {  	[dreg:$0x3] =	wrdreg s3  }
0xa7: {  	[dreg:$0x4] =	wrdreg $0xC0  }
0xa8: {  	_ =	task [dreg:s5], $0x5FFFF  }
0xa9: {  	[dreg:$0x1] =	wrdreg $0xFFFFFFFF  }
0xaa: {  	[dreg:$0x0] =	wrdreg $0x60  }
0xab: {  	[dreg:$0x2] =	wrdreg s0  }
0xac: {  	[dreg:$0x3] =	wrdreg s22  }
0xad: {  	[dreg:$0x4] =	wrdreg $0x142800  }
0xae: {  	[dreg:$0x5] =	wrdreg $0x16A800  }
0xaf: {  	[dreg:$0x6] =	wrdreg $0x9  }
0xb0: {  	_ =	task.clear_ibuf [dreg:s5], $0x7FFFF;
	_ =	strace $0x90000046  }
0xb1: {  	s26 =	simm.s32 $0x9;
	_ =	strace $0x80000048  }
0xb2: {  	_ =	swait.ge [sflag:s26], $0x1  }
0xb3: {  	[sflag:s26] =	ssyncadd.s32 $0xFFFFFFFF  }
0xb4: {  	_ =	strace $0x90000048  }
0xb5: {  	_ =	sfence  }
0xb6: {  	s28 =	sld [smem:$0x0];
	_ =	sdelay $0x1  }
0xb7: {  	s29 =	srdreg.scid  }
0xb8: {  	s30 =	sshll.u32 s29, $0xD;
	s31 =	sshrl.u32 s29, $0x2  }
0xb9: {  	s2 =	sand.u32 $0x4000, s30;
	s1 =	sand.u32 $0x1, s29;
	s0 =	sadd.s32 s31, s28  }
0xba: {  	s1 =	sor.u32 s2, s1;
	s0 =	sshll.u32 s0, $0x11  }
0xbb: {  	s0 =	sor.u32 s0, s1  }
0xbc: {  	s0 =	sadd.s32 $0x8F2B, s0  }
0xbd: {  	[sflag:s0] =	ssyncadd.remote.s32 $0x1  }
0xbe: {  	_ =	sfence.sel $0xFFFF  }
0xbf: {  	[dreg:$0x0] =	wrdreg $0xFFFFFFFF;
	(pc) =	sbr.abs _section_cstart, $3  }
0xc0: {  	[dreg:$0x1] =	wrdreg $0xFFFFFFFF  }
0xc1: {  	_ =	task.clear_ibuf [dreg:s5], $0x2FFFF;
	_ =	strace $0x9FFFFFFF  }
0xc2: {  	(tm) =	ssettm $0x7FFFFFFF  }
0xc3: {  	_ =	shalt  }
tec
execute0_lowered:
.L_overlay_start_1:
0x0: {  	(tag) =	ssettag $0x1  }
0x1: {  	s2 =	rddreg [dreg:$0x0]  }
0x2: {  	s4 =	rddreg [dreg:$0x1];
	s7 =	stileid.u32  }
0x3: {  	s3 =	rddreg [dreg:$0x2];
	s0 =	simm.s32 $0x0;
	s1 =	smul.u32 $0x1380, s7  }
0x4: {  	[smem:$0x7FF] =	sst s0  }
0x5: {  	s10 =	rddreg [dreg:$0x3];
	_ =	strace $0x80000047;
	s1 =	sadd.s32 s2, s1  }
0x6: {  	[tilespmem:s0], [sflag:$0x1] =	stream.linear.gather [hbm4b:s1+s0], $0x9C00, $0x38;
	[tilespmem:$0x16D00] =	vst v63  }
0x7: {  	v0 =	vimm.s32 $0x27FF;
	s1 =	simm.s32 $0x9C00  }
0x8: {  	[tilespmem:s1+$0x0] =	vst v0  }
0x9: {  	[tilespmem:s1+$0xF0] =	vst v0  }
0xa: {  	[tilespmem:s1+$0x70] =	vst v0  }
0xb: {  	[tilespmem:s1+$0xE0] =	vst v0  }
0xc: {  	[tilespmem:s1+$0x60] =	vst v0  }
0xd: {  	[tilespmem:s1+$0xD0] =	vst v0  }
0xe: {  	[tilespmem:s1+$0x50] =	vst v0  }
0xf: {  	[tilespmem:s1+$0xC0] =	vst v0  }
0x10: {  	[tilespmem:s1+$0x40] =	vst v0  }
0x11: {  	[tilespmem:s1+$0xB0] =	vst v0  }
0x12: {  	[tilespmem:s1+$0x30] =	vst v0  }
0x13: {  	[tilespmem:s1+$0xA0] =	vst v0  }
0x14: {  	[tilespmem:s1+$0x20] =	vst v0  }
0x15: {  	[tilespmem:s1+$0x90] =	vst v0  }
0x16: {  	s6 =	sadd.s32 $0x1A00, s4;
	s0 =	sadd.s32 $0x6A00, s4;
	s4 =	simm.s32 $0x0;
	[tilespmem:s1+$0x10] =	vst v0  }
.LBB2_1:
0x17: {  	s4 =	sadd.s32 $0x8, s4;
	[tilespmem:s1+$0x80] =	vst v0;
	s1 =	sadd.s32 $0x100, s1  }
0x18: {  	[tilespmem:s1+$0x0] =	vst v0;
	p0 =	slt.u32 s4, $0x18  }
0x19: {  	[tilespmem:s1+$0xF0] =	vst v0  }
0x1a: {  	[tilespmem:s1+$0x70] =	vst v0  }
0x1b: {  	[tilespmem:s1+$0xE0] =	vst v0  }
0x1c: {  	[tilespmem:s1+$0x60] =	vst v0  }
0x1d: {  	[tilespmem:s1+$0xD0] =	vst v0  }
0x1e: {  	[tilespmem:s1+$0x50] =	vst v0  }
0x1f: {  	[tilespmem:s1+$0xC0] =	vst v0  }
0x20: {  	[tilespmem:s1+$0x40] =	vst v0  }
0x21: {  	[tilespmem:s1+$0xB0] =	vst v0  }
.Ltmp0:
0x22: {  	[tilespmem:s1+$0x30] =	vst v0;
	(pc) =	sbr.rel @p0 .LBB2_1-.Ltmp0, $4  }
0x23: {  	[tilespmem:s1+$0xA0] =	vst v0  }
0x24: {  	[tilespmem:s1+$0x20] =	vst v0  }
0x25: {  	[tilespmem:s1+$0x90] =	vst v0  }
0x26: {  	[tilespmem:s1+$0x10] =	vst v0  }
0x27: {  	[tilespmem:s1+$0x80] =	vst v0;
	s1 =	simm.s32 $0xA040;
	v0 =	vimm.f32 $0.0e+00  }
0x28: {  	[tilespmem:s1+$0x30] =	vst v0  }
0x29: {  	[tilespmem:s1+$0xFFFFFFF0] =	vst v0  }
0x2a: {  	[tilespmem:s1+$0xFFFFFFC0] =	vst v0  }
0x2b: {  	[tilespmem:s1+$0xFFFFFFE0] =	vst v0  }
0x2c: {  	[tilespmem:s1+$0x10] =	vst v0  }
0x2d: {  	[tilespmem:s1+$0x20] =	vst v0  }
0x2e: {  	[tilespmem:s1+$0x0] =	vst v0  }
0x2f: {  	s4 =	simm.s32 $0xC840;
	[tilespmem:s1+$0xFFFFFFD0] =	vst v0  }
0x30: {  	[tilespmem:s4+$0xFFFFFFC0] =	vst v0  }
0x31: {  	[tilespmem:s4+$0x30] =	vst v0  }
0x32: {  	[tilespmem:s4+$0x20] =	vst v0  }
0x33: {  	[tilespmem:s4+$0x10] =	vst v0  }
0x34: {  	[tilespmem:s4+$0xFFFFFFE0] =	vst v0  }
0x35: {  	[tilespmem:s4+$0x0] =	vst v0  }
0x36: {  	s5 =	simm.s32 $0x0;
	[tilespmem:s4+$0xFFFFFFF0] =	vst v0  }
.LBB2_3:
0x37: {  	s5 =	sadd.s32 $0x8, s5;
	[tilespmem:s4+$0xFFFFFFD0] =	vst v0;
	s1 =	sadd.s32 $0x80, s1;
	s4 =	sadd.s32 $0x80, s4  }
0x38: {  	[tilespmem:s1+$0x30] =	vst v0;
	p0 =	slt.u32 s5, $0x278  }
0x39: {  	[tilespmem:s1+$0xFFFFFFF0] =	vst v0  }
0x3a: {  	[tilespmem:s1+$0xFFFFFFC0] =	vst v0  }
0x3b: {  	[tilespmem:s4+$0xFFFFFFC0] =	vst v0  }
0x3c: {  	[tilespmem:s4+$0x30] =	vst v0  }
0x3d: {  	[tilespmem:s1+$0xFFFFFFE0] =	vst v0  }
0x3e: {  	[tilespmem:s1+$0x10] =	vst v0  }
0x3f: {  	[tilespmem:s1+$0x20] =	vst v0  }
0x40: {  	[tilespmem:s4+$0x20] =	vst v0  }
0x41: {  	[tilespmem:s4+$0x10] =	vst v0  }
.Ltmp1:
0x42: {  	[tilespmem:s4+$0xFFFFFFE0] =	vst v0;
	(pc) =	sbr.rel @p0 .LBB2_3-.Ltmp1, $4  }
0x43: {  	[tilespmem:s1+$0x0] =	vst v0  }
0x44: {  	[tilespmem:s4+$0x0] =	vst v0  }
0x45: {  	[tilespmem:s4+$0xFFFFFFF0] =	vst v0  }
0x46: {  	[tilespmem:s1+$0xFFFFFFD0] =	vst v0  }
0x47: {  	[tilespmem:s4+$0xFFFFFFD0] =	vst v0;
	s1 =	simm.s32 $0x1  }
0x48: {  	p0 =	sne.s32 s7, $0xF;
	_ =	swait.ge [sflag:s1], $0x9C00  }
0x49: {  	s4 =	simm.s32 @!p0 $0x9C00;
	[sflag:s1] =	ssyncset.done $0x0  }
0x4a: {  	[sflag:s1] =	ssyncadd.s32 $0xFFFF6400;
	s1 =	sadd.s32 @!p0 $0x13800, s2;
	s2 =	simm.s32 @!p0 $0x0  }
0x4b: {  	[tilespmem:s4], [sflag:$0x2] =	stream.linear.gather @!p0 [hbm4b:s1+s2], $0x400, $0x38;
	[tilespmem:$0x16D00] =	vst v63  }
0x4c: {  	s1 =	simm.s32 @!p0 $0x2  }
0x4d: {  	_ =	swait.ge @!p0 [sflag:s1], $0x400  }
0x4e: {  	[sflag:s1] =	ssyncset.done @!p0 $0x0  }
0x4f: {  	[sflag:s1] =	ssyncadd.s32 @!p0 $0xFFFFFC00;
	s1 =	simm.s32 $0xF0  }
0x50: {  	v2 =	vld [tilespmem:s1+$0xFFFFFF90]  }
0x51: {  	v3 =	vld [tilespmem:s1+$0x0]  }
0x52: {  	v4 =	vld [tilespmem:s1+$0xFFFFFFF0]  }
0x53: {  	v5 =	vld [tilespmem:s1+$0xFFFFFFE0]  }
0x54: {  	v6 =	vld [tilespmem:s1+$0xFFFFFFD0]  }
0x55: {  	v7 =	vld [tilespmem:s1+$0xFFFFFFC0]  }
0x56: {  	v8 =	vld [tilespmem:s1+$0xFFFFFFB0]  }
0x57: {  	v0 =	vimm.f32 $1.000000000e+00;
	s2 =	simm.s32 $0xA000;
	v1 =	vld [tilespmem:s1+$0xFFFFFFA0]  }
0x58: {  	s28 =	smul.u32 $0x280, s7;
	[tilespmem:v2+s2+$0x0] =	vst.idx.add.f32.msk $0xffff, v0  }
0x59: {  	s5 =	sshrl.u32 s7, $0x3;
	[tilespmem:v3+s2+$0x0] =	vst.idx.add.f32.msk $0xffff, v0  }
0x5a: {  	s8 =	stileid.u32;
	s5 =	smul.u32 $0x14000, s5;
	s9 =	sshrl.u32 s28, $0x3;
	[tilespmem:v4+s2+$0x0] =	vst.idx.add.f32.msk $0xffff, v0  }
0x5b: {  	s29 =	sshll.u32 s7, $0x7;
	s8 =	smul.u32 $0x5000, s8;
	s0 =	sadd.s32 s0, s9;
	[tilespmem:v5+s2+$0x0] =	vst.idx.add.f32.msk $0xffff, v0  }
0x5c: {  	s7 =	sand.u32 $0x380, s29;
	[dreg:$0xe] =	wrdreg s0  }
0x5d: {  	s5 =	sor.u32 s7, s5;
	s30 =	sshrl.u32 s8, $0x2;
	s4 =	sadd.s32 s28, s10;
	[tilespmem:v6+s2+$0x0] =	vst.idx.add.f32.msk $0xffff, v0  }
0x5e: {  	s0 =	sadd.s32 s30, s3;
	s3 =	sadd.s32 s5, s3;
	s5 =	sshrl.u32 s5, $0x3;
	[tilespmem:v7+s2+$0x0] =	vst.idx.add.f32.msk $0xffff, v0  }
0x5f: {  	s31 =	sadd.s32 s6, s5;
	[dreg:$0xf] =	wrdreg s4  }
0x60: {  	[dreg:$0xd] =	wrdreg s31  }
0x61: {  	s4 =	simm.s32 $0x0;
	[tilespmem:v8+s2+$0x0] =	vst.idx.add.f32.msk $0xffff, v0  }
.LBB2_5:
0x62: {  	s4 =	sadd.s32 $0x8, s4;
	[tilespmem:v1+s2+$0x0] =	vst.idx.add.f32.msk $0xffff, v0;
	s1 =	sadd.s32 $0x100, s1  }
0x63: {  	v2 =	vld [tilespmem:s1+$0xFFFFFF90];
	p0 =	slt.u32 s4, $0x4F8  }
0x64: {  	v3 =	vld [tilespmem:s1+$0x0]  }
0x65: {  	v4 =	vld [tilespmem:s1+$0xFFFFFFF0]  }
0x66: {  	v5 =	vld [tilespmem:s1+$0xFFFFFFE0]  }
0x67: {  	v6 =	vld [tilespmem:s1+$0xFFFFFFD0]  }
0x68: {  	v7 =	vld [tilespmem:s1+$0xFFFFFFC0]  }
0x69: {  	v8 =	vld [tilespmem:s1+$0xFFFFFFB0]  }
0x6a: {  	v1 =	vld [tilespmem:s1+$0xFFFFFFA0]  }
0x6b: {  	[tilespmem:v2+s2+$0x0] =	vst.idx.add.f32.msk $0xffff, v0  }
0x6c: {  	[tilespmem:v3+s2+$0x0] =	vst.idx.add.f32.msk $0xffff, v0  }
.Ltmp2:
0x6d: {  	[tilespmem:v4+s2+$0x0] =	vst.idx.add.f32.msk $0xffff, v0;
	(pc) =	sbr.rel @p0 .LBB2_5-.Ltmp2, $4  }
0x6e: {  	[tilespmem:v5+s2+$0x0] =	vst.idx.add.f32.msk $0xffff, v0  }
0x6f: {  	[tilespmem:v6+s2+$0x0] =	vst.idx.add.f32.msk $0xffff, v0  }
0x70: {  	[tilespmem:v7+s2+$0x0] =	vst.idx.add.f32.msk $0xffff, v0  }
0x71: {  	[tilespmem:v8+s2+$0x0] =	vst.idx.add.f32.msk $0xffff, v0  }
0x72: {  	_ =	sdelay $0x2  }
0x73: {  	s1 =	simm.s32 $0x80  }
0x74: {  	[tilespmem:v1+s2+$0x0] =	vst.idx.add.f32.msk $0xffff, v0;
	s15 =	simm.s32 $0x400;
	s4 =	simm.s32 $0xA000;
	s16 =	simm.s32 $0x2  }
0x75: {  	[spmem:s3] =	stream.strided.scatter [tilespmem:s4], [sflag:$0x2], $0x2800, s15, s1, $0x38;
	[tilespmem:$0x16D00] =	vst v63  }
0x76: {  	_ =	swait.ge [sflag:s16], $0x2800  }
0x77: {  	[sflag:s16] =	ssyncset.done $0x0  }
0x78: {  	s17 =	simm.s32 $0x1400;
	s18 =	simm.s32 $0x14000;
	[sflag:s16] =	ssyncadd.s32 $0xFFFFD800  }
0x79: {  	s19 =	simm.s32 $0x11800;
	s14 =	simm.s32 $0x0;
	[bflag:$0x0] =	sbarrier.arrive $0xFFFF  }
0x7a: {  	[tilespmem:s19], [sflag:$0x2] =	stream.strided.gather [spmem:s0], $0x2800, s18, s17, $0x38;
	[tilespmem:$0x16D00] =	vst v63  }
0x7b: {  	s5 =	sand.u32 $0x1C00, s14;
	s0 =	sand.u32 $0x40, s14;
	_ =	swait.ge [sflag:s16], $0x2800  }
0x7c: {  	s20 =	sadd.s32 $0x11800, s5;
	s12 =	sor.u32 $0x30, s0;
	[sflag:s16] =	ssyncset.done $0x0  }
0x7d: {  	s21 =	sor.u32 s12, s20;
	[sflag:s16] =	ssyncadd.s32 $0xFFFFD800  }
0x7e: {  	s6 =	sor.u32 s0, s20;
	v0 =	vld [tilespmem:s21+$0x0]  }
0x7f: {  	s11 =	sor.u32 $0x10, s0;
	v1 =	vld [tilespmem:s6+$0x0]  }
0x80: {  	s7 =	sor.u32 s11, s20;
	v2 =	vld [tilespmem:s21+$0x80]  }
0x81: {  	s13 =	sor.u32 $0x20, s0;
	v3 =	vld [tilespmem:s7+$0x0]  }
0x82: {  	s8 =	sor.u32 s13, s20;
	v4 =	vld [tilespmem:s21+$0x100]  }
0x83: {  	v5 =	vld [tilespmem:s8+$0x0]  }
0x84: {  	v6 =	vld [tilespmem:s21+$0x180]  }
0x85: {  	v7 =	vld [tilespmem:s6+$0x80]  }
0x86: {  	v8 =	vld [tilespmem:s21+$0x200]  }
0x87: {  	v9 =	vld [tilespmem:s7+$0x80]  }
0x88: {  	v10 =	vld [tilespmem:s21+$0x280]  }
0x89: {  	v11 =	vld [tilespmem:s8+$0x80]  }
0x8a: {  	v12 =	vld [tilespmem:s21+$0x300]  }
0x8b: {  	v13 =	vld [tilespmem:s6+$0x100]  }
0x8c: {  	s9 =	sadd.s32 $0x12C00, s5;
	v14 =	vld [tilespmem:s21+$0x380]  }
0x8d: {  	s22 =	sor.u32 s12, s9;
	v15 =	vld [tilespmem:s7+$0x100]  }
0x8e: {  	s10 =	sadd.s32 $0x12C80, s5;
	v16 =	vld [tilespmem:s22+$0x0]  }
0x8f: {  	s23 =	sor.u32 s12, s10;
	v17 =	vld [tilespmem:s8+$0x100]  }
0x90: {  	s15 =	sadd.s32 $0x12D00, s5;
	v18 =	vld [tilespmem:s23+$0x0]  }
0x91: {  	s24 =	sor.u32 s12, s15;
	v19 =	vld [tilespmem:s6+$0x180]  }
0x92: {  	v20 =	vld [tilespmem:s24+$0x0]  }
0x93: {  	s26 =	sadd.s32 $0x12E00, s5;
	v21 =	vld [tilespmem:s7+$0x180]  }
0x94: {  	s28 =	sor.u32 s12, s26;
	v23 =	vld [tilespmem:s8+$0x180]  }
0x95: {  	s3 =	sadd.s32 $0x12E80, s5;
	v24 =	vld [tilespmem:s28+$0x0]  }
0x96: {  	s29 =	sor.u32 s12, s3;
	v25 =	vld [tilespmem:s6+$0x200]  }
0x97: {  	s2 =	sadd.s32 $0x12F00, s5;
	v26 =	vld [tilespmem:s29+$0x0]  }
0x98: {  	s17 =	sor.u32 s12, s2;
	v27 =	vld [tilespmem:s7+$0x200]  }
0x99: {  	s1 =	sadd.s32 $0x12F80, s5;
	v28 =	vld [tilespmem:s17+$0x0]  }
0x9a: {  	s16 =	sadd.s32 $0x12D80, s5;
	s5 =	sor.u32 s12, s1;
	v29 =	vld [tilespmem:s8+$0x200]  }
0x9b: {  	v30 =	vld [tilespmem:s5+$0x0]  }
0x9c: {  	v31 =	vld [tilespmem:s6+$0x280]  }
0x9d: {  	v32 =	vld [tilespmem:s7+$0x280]  }
0x9e: {  	v33 =	vld [tilespmem:s8+$0x280]  }
0x9f: {  	v34 =	vld [tilespmem:s6+$0x300]  }
0xa0: {  	v35 =	vld [tilespmem:s8+$0x300];
	v0 =	vadd.f32 $1.000000000e+00, v0  }
0xa1: {  	s30 =	sor.u32 s0, s9;
	v36 =	vld [tilespmem:s7+$0x380]  }
0xa2: {  	s18 =	sor.u32 s0, s15;
	v37 =	vld [tilespmem:s30+$0x0];
	v0 =	vadd.f32 v2, v0  }
0xa3: {  	s19 =	sor.u32 s11, s15;
	v40 =	vld [tilespmem:s18+$0x0]  }
0xa4: {  	s20 =	sor.u32 s13, s15;
	v54 =	vld [tilespmem:s19+$0x0];
	v0 =	vadd.f32 v4, v0  }
0xa5: {  	s4 =	sor.u32 s13, s26;
	v41 =	vld [tilespmem:s20+$0x0]  }
0xa6: {  	s25 =	sor.u32 s12, s16;
	v44 =	vld [tilespmem:s4+$0x0];
	v0 =	vadd.f32 v6, v0  }
0xa7: {  	s17 =	sor.u32 s13, s10;
	v22 =	vld [tilespmem:s25+$0x0]  }
0xa8: {  	s21 =	sor.u32 s0, s16;
	v53 =	vld [tilespmem:s17+$0x0];
	v0 =	vadd.f32 v8, v0  }
0xa9: {  	s22 =	sor.u32 s11, s16;
	v55 =	vld [tilespmem:s21+$0x0]  }
0xaa: {  	s23 =	sor.u32 s13, s16;
	v42 =	vld [tilespmem:s22+$0x0];
	v0 =	vadd.f32 v10, v0  }
0xab: {  	s24 =	sor.u32 s0, s26;
	v56 =	vld [tilespmem:s23+$0x0]  }
0xac: {  	s30 =	sor.u32 s11, s2;
	v43 =	vld [tilespmem:s24+$0x0];
	v0 =	vadd.f32 v12, v0  }
0xad: {  	s29 =	sor.u32 s0, s2;
	s2 =	sor.u32 s13, s2;
	v59 =	vld [tilespmem:s30+$0x0]  }
0xae: {  	s25 =	sor.u32 s11, s26;
	v60 =	vld [tilespmem:s2+$0x0];
	v0 =	vadd.f32 v14, v0  }
0xaf: {  	s26 =	sor.u32 s0, s3;
	v57 =	vld [tilespmem:s25+$0x0];
	v1 =	vadd.f32 $1.000000000e+00, v1;
	v3 =	vadd.f32 $1.000000000e+00, v3  }
0xb0: {  	s2 =	sor.u32 s11, s1;
	v58 =	vld [tilespmem:s26+$0x0];
	v5 =	vadd.f32 $1.000000000e+00, v5;
	v0 =	vadd.f32 v16, v0  }
0xb1: {  	s24 =	sor.u32 s13, s1;
	v62 =	vld [tilespmem:s2+$0x0];
	v1 =	vadd.f32 v7, v1;
	v3 =	vadd.f32 v9, v3  }
0xb2: {  	v63 =	vld [tilespmem:s24+$0x0];
	v5 =	vadd.f32 v11, v5;
	v0 =	vadd.f32 v18, v0  }
0xb3: {  	s28 =	sor.u32 s11, s3;
	v2 =	vld [tilespmem:s7+$0x300];
	v1 =	vadd.f32 v13, v1;
	v3 =	vadd.f32 v15, v3  }
0xb4: {  	s3 =	sor.u32 s13, s3;
	v7 =	vld [tilespmem:s28+$0x0];
	v5 =	vadd.f32 v17, v5;
	v0 =	vadd.f32 v20, v0  }
0xb5: {  	v9 =	vld [tilespmem:s3+$0x0];
	v1 =	vadd.f32 v19, v1;
	v3 =	vadd.f32 v21, v3  }
0xb6: {  	v11 =	vld [tilespmem:s29+$0x0];
	v5 =	vadd.f32 v23, v5;
	v0 =	vadd.f32 v22, v0  }
0xb7: {  	s31 =	sor.u32 s11, s9;
	v4 =	vld [tilespmem:s6+$0x380];
	v1 =	vadd.f32 v25, v1;
	v3 =	vadd.f32 v27, v3  }
0xb8: {  	s6 =	simm.s32 $0x40;
	v8 =	vld [tilespmem:s31+$0x0];
	s31 =	simm.s32 $0x200;
	v5 =	vadd.f32 v29, v5;
	v0 =	vadd.f32 v24, v0  }
0xb9: {  	s15 =	sand.u32 $0x40, s6;
	v6 =	vld [tilespmem:s8+$0x380];
	s8 =	sor.u32 s0, s10;
	s3 =	sand.u32 $0x1C00, s31;
	v1 =	vadd.f32 v31, v1;
	v3 =	vadd.f32 v32, v3  }
0xba: {  	s7 =	sor.u32 s13, s9;
	v10 =	vld [tilespmem:s8+$0x0];
	s25 =	sadd.s32 $0x11800, s3;
	s8 =	sor.u32 $0x10, s15;
	v5 =	vadd.f32 v33, v5;
	v0 =	vadd.f32 v26, v0  }
0xbb: {  	v38 =	vld [tilespmem:s7+$0x0];
	s29 =	sor.u32 s8, s25;
	v1 =	vadd.f32 v34, v1;
	v2 =	vadd.f32 v2, v3  }
0xbc: {  	s9 =	sor.u32 s11, s10;
	s7 =	sor.u32 $0x30, s15;
	v3 =	vld [tilespmem:s29+$0x0];
	v5 =	vadd.f32 v35, v5;
	v0 =	vadd.f32 v28, v0  }
0xbd: {  	v39 =	vld [tilespmem:s9+$0x0];
	s26 =	sor.u32 s7, s25;
	v1 =	vadd.f32 v4, v1;
	v2 =	vadd.f32 v36, v2  }
0xbe: {  	s0 =	sor.u32 s0, s1;
	v5 =	vadd.f32 v6, v5;
	v0 =	vadd.f32 v30, v0;
	v30 =	vld [tilespmem:s26+$0x0]  }
0xbf: {  	v61 =	vld [tilespmem:s0+$0x0];
	v1 =	vadd.f32 v37, v1  }
0xc0: {  	s28 =	sor.u32 s15, s25;
	v33 =	vld [tilespmem:s26+$0x80];
	v2 =	vadd.f32 v8, v2;
	v5 =	vadd.f32 v38, v5  }
0xc1: {  	v32 =	vld [tilespmem:s28+$0x0];
	v3 =	vadd.f32 $1.000000000e+00, v3;
	v1 =	vadd.f32 v10, v1  }
0xc2: {  	v4 =	vld [tilespmem:s26+$0x100];
	v2 =	vadd.f32 v39, v2;
	v5 =	vadd.f32 v53, v5  }
0xc3: {  	v45 =	vld [tilespmem:s26+$0x200];
	v1 =	vadd.f32 v40, v1;
	v23 =	vadd.f32 $1.000000000e+00, v30  }
0xc4: {  	v36 =	vld [tilespmem:s26+$0x180];
	v2 =	vadd.f32 v54, v2;
	v5 =	vadd.f32 v41, v5  }
0xc5: {  	v46 =	vld [tilespmem:s26+$0x300];
	v1 =	vadd.f32 v55, v1;
	v23 =	vadd.f32 v33, v23  }
0xc6: {  	v47 =	vld [tilespmem:s28+$0x100];
	v2 =	vadd.f32 v42, v2;
	v5 =	vadd.f32 v56, v5  }
0xc7: {  	s30 =	sadd.s32 $0x12C00, s3;
	v49 =	vld [tilespmem:s26+$0x380];
	v1 =	vadd.f32 v43, v1;
	v4 =	vadd.f32 v4, v23  }
0xc8: {  	s22 =	sadd.s32 $0x12C80, s3;
	s31 =	sor.u32 s7, s30;
	v8 =	vld [tilespmem:s26+$0x280];
	v2 =	vadd.f32 v57, v2;
	v5 =	vadd.f32 v44, v5  }
0xc9: {  	s9 =	sor.u32 s7, s22;
	v50 =	vld [tilespmem:s31+$0x0];
	v1 =	vadd.f32 v58, v1;
	v4 =	vadd.f32 v36, v4  }
0xca: {  	v51 =	vld [tilespmem:s9+$0x0];
	v2 =	vadd.f32 v7, v2;
	v5 =	vadd.f32 v9, v5  }
0xcb: {  	v6 =	vld [tilespmem:s28+$0x80];
	v31 =	vshra.s32 v0, $0x1;
	v0 =	vmul.f32 $5.000000000e-01, v0;
	v4 =	vadd.f32 v45, v4  }
0xcc: {  	v52 =	vld [tilespmem:s28+$0x180];
	v1 =	vadd.f32 v11, v1;
	v2 =	vadd.f32 v59, v2;
	v24 =	vsub.s32 $0x5F3759DF, v31  }
0xcd: {  	s20 =	sadd.s32 $0x12D80, s3;
	v37 =	vld [tilespmem:s29+$0x180];
	v5 =	vadd.f32 v60, v5;
	v34 =	vmul.f32 v24, v0;
	v4 =	vadd.f32 v8, v4  }
0xce: {  	s16 =	sor.u32 s7, s20;
	v38 =	vld [tilespmem:s29+$0x200];
	v1 =	vadd.f32 v61, v1;
	v61 =	vadd.f32 $1.000000000e+00, v32  }
0xcf: {  	v53 =	vld [tilespmem:s16+$0x0];
	v2 =	vadd.f32 v62, v2;
	v27 =	vmul.f32 v24, v34;
	v4 =	vadd.f32 v46, v4  }
0xd0: {  	s21 =	sadd.s32 $0x12D00, s3;
	v7 =	vld [tilespmem:s28+$0x200];
	v5 =	vadd.f32 v63, v5;
	v6 =	vadd.f32 v6, v61  }
0xd1: {  	s10 =	sor.u32 s7, s21;
	v62 =	vld [tilespmem:s29+$0x80];
	v27 =	vsub.f32 $1.500000000e+00, v27;
	v4 =	vadd.f32 v49, v4  }
0xd2: {  	s19 =	sadd.s32 $0x12E00, s3;
	v57 =	vshra.s32 v1, $0x1;
	v1 =	vmul.f32 $5.000000000e-01, v1;
	v6 =	vadd.f32 v47, v6;
	v8 =	vld [tilespmem:s10+$0x0]  }
0xd3: {  	s17 =	sor.u32 s7, s19;
	v56 =	vld [tilespmem:s28+$0x280];
	v15 =	vsub.s32 $0x5F3759DF, v57;
	v10 =	vmul.f32 v24, v27;
	v4 =	vadd.f32 v50, v4  }
0xd4: {  	v54 =	vld [tilespmem:s17+$0x0];
	v19 =	vshra.s32 v2, $0x1;
	v63 =	vmul.f32 v15, v1;
	v6 =	vadd.f32 v52, v6  }
0xd5: {  	s18 =	sadd.s32 $0x12E80, s3;
	v2 =	vmul.f32 $5.000000000e-01, v2;
	v34 =	vld [tilespmem:s29+$0x100];
	v48 =	vmul.f32 v10, v0;
	v4 =	vadd.f32 v51, v4  }
0xd6: {  	s23 =	sor.u32 s7, s18;
	v58 =	vld [tilespmem:s28+$0x300];
	v19 =	vsub.s32 $0x5F3759DF, v19;
	v6 =	vadd.f32 v7, v6;
	v23 =	vmul.f32 v15, v63  }
0xd7: {  	v11 =	vld [tilespmem:s23+$0x0];
	v3 =	vadd.f32 v62, v3;
	v12 =	vmul.f32 v48, v10;
	v4 =	vadd.f32 v8, v4  }
0xd8: {  	s17 =	sadd.s32 $0x12F00, s3;
	v59 =	vld [tilespmem:s28+$0x380];
	v33 =	vmul.f32 v19, v2;
	v6 =	vadd.f32 v56, v6;
	v23 =	vsub.f32 $1.500000000e+00, v23  }
0xd9: {  	v40 =	vld [tilespmem:s29+$0x280];
	s24 =	sor.u32 s7, s17;
	s10 =	sor.u32 $0x20, s15;
	v12 =	vsub.f32 $1.500000000e+00, v12;
	v4 =	vadd.f32 v53, v4  }
0xda: {  	s16 =	sadd.s32 $0x12F80, s3;
	v9 =	vld [tilespmem:s24+$0x0];
	v18 =	vmul.f32 v19, v33;
	v3 =	vadd.f32 v34, v3;
	v15 =	vmul.f32 v15, v23;
	s2 =	sor.u32 s10, s25  }
0xdb: {  	s4 =	sor.u32 s7, s16;
	v6 =	vadd.f32 v58, v6;
	v60 =	vld [tilespmem:s2+$0x0];
	v10 =	vmul.f32 v12, v10;
	v4 =	vadd.f32 v54, v4  }
0xdc: {  	v55 =	vld [tilespmem:s4+$0x0];
	v18 =	vsub.f32 $1.500000000e+00, v18;
	v3 =	vadd.f32 v37, v3;
	v23 =	vmul.f32 v15, v1  }
0xdd: {  	v6 =	vadd.f32 v59, v6;
	v32 =	vld [tilespmem:s2+$0x80];
	v0 =	vmul.f32 v10, v0;
	v4 =	vadd.f32 v11, v4  }
0xde: {  	v41 =	vld [tilespmem:s29+$0x380];
	v23 =	vmul.f32 v23, v15;
	v8 =	vshra.s32 v5, $0x1;
	v5 =	vmul.f32 $5.000000000e-01, v5  }
0xdf: {  	s1 =	sor.u32 s15, s21;
	v36 =	vld [tilespmem:s2+$0x100];
	v0 =	vmul.f32 v0, v10;
	v8 =	vsub.s32 $0x5F3759DF, v8;
	v4 =	vadd.f32 v9, v4  }
0xe0: {  	v56 =	vld [tilespmem:s1+$0x0];
	v23 =	vsub.f32 $1.500000000e+00, v23;
	v20 =	vadd.f32 $1.000000000e+00, v60;
	v35 =	vmul.f32 v8, v5  }
0xe1: {  	s5 =	sor.u32 s8, s20;
	v18 =	vmul.f32 v19, v18;
	v0 =	vsub.f32 $1.500000000e+00, v0;
	v11 =	vld [tilespmem:s2+$0x180];
	v4 =	vadd.f32 v55, v4  }
0xe2: {  	v59 =	vld [tilespmem:s5+$0x0];
	v15 =	vmul.f32 v23, v15;
	v39 =	vadd.f32 v32, v20;
	v28 =	vmul.f32 v8, v35  }
0xe3: {  	v10 =	vmul.f32 v0, v10;
	v9 =	vld [tilespmem:s2+$0x200];
	v43 =	vshra.s32 v4, $0x1;
	v4 =	vmul.f32 $5.000000000e-01, v4  }
0xe4: {  	v42 =	vld [tilespmem:s2+$0x280];
	v12 =	vadd.f32 v36, v39;
	v0 =	vsub.f32 $1.500000000e+00, v28;
	v45 =	vsub.s32 $0x5F3759DF, v43  }
0xe5: {  	v3 =	vadd.f32 v38, v3;
	v48 =	vmul.f32 v18, v2;
	v44 =	vld [tilespmem:s2+$0x300];
	v7 =	vmul.f32 v45, v4  }
0xe6: {  	v1 =	vmul.f32 v15, v1;
	v0 =	vmul.f32 v8, v0;
	v8 =	vld [tilespmem:s29+$0x300];
	v11 =	vadd.f32 v11, v12  }
0xe7: {  	s25 =	sor.u32 s15, s30;
	v46 =	vld [tilespmem:s2+$0x380];
	v3 =	vadd.f32 v40, v3;
	v22 =	vmul.f32 v48, v18;
	v7 =	vmul.f32 v45, v7  }
0xe8: {  	s28 =	sor.u32 s10, s30;
	v47 =	vld [tilespmem:s25+$0x0];
	v1 =	vmul.f32 v1, v15;
	v50 =	vmul.f32 v0, v5;
	v9 =	vadd.f32 v9, v11  }
0xe9: {  	s26 =	sor.u32 s8, s30;
	v49 =	vld [tilespmem:s28+$0x0];
	v54 =	vsub.f32 $1.500000000e+00, v22;
	v7 =	vsub.f32 $1.500000000e+00, v7  }
0xea: {  	v1 =	vsub.f32 $1.500000000e+00, v1;
	s29 =	sor.u32 s15, s22;
	v53 =	vmul.f32 v50, v0;
	v11 =	vld [tilespmem:s26+$0x0];
	v9 =	vadd.f32 v42, v9  }
0xeb: {  	s30 =	sor.u32 s8, s22;
	v51 =	vld [tilespmem:s29+$0x0];
	v55 =	vmul.f32 v54, v18;
	v3 =	vadd.f32 v8, v3;
	v7 =	vmul.f32 v45, v7  }
0xec: {  	s31 =	sor.u32 s10, s22;
	v52 =	vld [tilespmem:s30+$0x0];
	v16 =	vsub.f32 $1.500000000e+00, v53;
	v8 =	vadd.f32 v44, v9  }
0xed: {  	s2 =	sor.u32 s8, s21;
	v2 =	vmul.f32 v55, v2;
	v3 =	vadd.f32 v41, v3;
	v9 =	vld [tilespmem:s31+$0x0];
	v58 =	vmul.f32 v7, v4  }
0xee: {  	s3 =	sor.u32 s10, s21;
	v57 =	vld [tilespmem:s2+$0x0];
	v16 =	vmul.f32 v16, v0;
	v0 =	vadd.f32 v47, v6;
	v8 =	vadd.f32 v46, v8  }
0xef: {  	s9 =	sor.u32 s10, s20;
	v2 =	vmul.f32 v2, v55;
	v6 =	vld [tilespmem:s3+$0x0];
	v3 =	vadd.f32 v11, v3;
	v13 =	vmul.f32 v58, v7  }
0xf0: {  	s4 =	sor.u32 s15, s20;
	v60 =	vld [tilespmem:s9+$0x0];
	v0 =	vadd.f32 v51, v0;
	v5 =	vmul.f32 v16, v5;
	v8 =	vadd.f32 v49, v8  }
0xf1: {  	s20 =	sor.u32 s15, s19;
	v11 =	vld [tilespmem:s4+$0x0];
	v3 =	vadd.f32 v52, v3;
	v13 =	vsub.f32 $1.500000000e+00, v13  }
0xf2: {  	v61 =	vld [tilespmem:s20+$0x0];
	s21 =	sor.u32 s8, s19;
	s22 =	sand.u32 $0x380, s14;
	v2 =	vsub.f32 $1.500000000e+00, v2;
	v5 =	vmul.f32 v5, v16;
	v8 =	vadd.f32 v9, v8  }
0xf3: {  	s23 =	sor.u32 s10, s19;
	v62 =	vld [tilespmem:s21+$0x0];
	s0 =	sor.u32 $0x14000, s22;
	v3 =	vadd.f32 v57, v3;
	v9 =	vadd.f32 v56, v0;
	v0 =	vmul.f32 v13, v7  }
0xf4: {  	v63 =	vld [tilespmem:s23+$0x0];
	s25 =	sor.u32 s12, s0;
	s26 =	sor.u32 s8, s18;
	v5 =	vsub.f32 $1.500000000e+00, v5;
	v6 =	vadd.f32 v6, v8  }
0xf5: {  	s24 =	sor.u32 s15, s18;
	[tilespmem:s25+$0x0] =	vst v10;
	s31 =	sor.u32 s8, s17;
	v10 =	vadd.f32 v59, v3;
	v3 =	vld [tilespmem:s26+$0x0];
	v7 =	vmul.f32 v2, v55;
	v8 =	vmul.f32 v0, v4  }
0xf6: {  	s30 =	sor.u32 s15, s17;
	v1 =	vmul.f32 v1, v15;
	s29 =	sor.u32 s10, s18;
	s28 =	sor.u32 s11, s0;
	v9 =	vadd.f32 v11, v9;
	v11 =	vadd.f32 v60, v6;
	v6 =	vld [tilespmem:s31+$0x0]  }
0xf7: {  	s22 =	sor.u32 s8, s16;
	v2 =	vld [tilespmem:s24+$0x0];
	s24 =	sor.u32 s10, s17;
	s17 =	simm.s32 $0x14000;
	[tilespmem:s28+$0x0] =	vst v7;
	v7 =	vmul.f32 v5, v16;
	v13 =	vmul.f32 v8, v0  }
0xf8: {  	s21 =	sor.u32 s10, s16;
	s0 =	sor.u32 s13, s0;
	s11 =	simm.s32 $0x4;
	v9 =	vadd.f32 v61, v9;
	[tilespmem:s17+$0x0] =	vst v1;
	v4 =	vld [tilespmem:s29+$0x0];
	v8 =	vadd.f32 v62, v10  }
0xf9: {  	s12 =	simm.s32 $0x400;
	s13 =	simm.s32 $0x80;
	s26 =	sor.u32 s15, s16;
	v5 =	vld [tilespmem:s30+$0x0];
	[tilespmem:s0+$0x0] =	vst v7;
	v7 =	vadd.f32 v63, v11;
	v1 =	vsub.f32 $1.500000000e+00, v13  }
.LBB2_7:
0xfa: {  	[dreg:$0x5] =	wrdreg s17;
	s19 =	sand.u32 $0x1C00, s12  }
0xfb: {  	s17 =	sand.u32 $0x40, s13;
	s0 =	sand.u32 $0x380, s6;
	v10 =	vld [tilespmem:s26+$0x0];
	s1 =	sadd.s32 $0x11800, s19  }
0xfc: {  	s2 =	sor.u32 $0x14000, s0;
	v0 =	vmul.f32 v1, v0;
	v1 =	vld [tilespmem:s22+$0x0];
	s16 =	sor.u32 s17, s1  }
0xfd: {  	s3 =	sor.u32 s7, s2;
	s7 =	sor.u32 $0x30, s17;
	v13 =	vld [tilespmem:s16+$0x80]  }
0xfe: {  	s30 =	sor.u32 s7, s1;
	[tilespmem:s3+$0x0] =	vst v0;
	v2 =	vadd.f32 v2, v9;
	v9 =	vld [tilespmem:s24+$0x0]  }
0xff: {  	v3 =	vadd.f32 v3, v8;
	v0 =	vld [tilespmem:s30+$0x0]  }
0x100: {  	s4 =	sor.u32 $0x10, s17;
	v4 =	vadd.f32 v4, v7;
	v7 =	vld [tilespmem:s30+$0x80]  }
0x101: {  	s15 =	sor.u32 s4, s1;
	v2 =	vadd.f32 v5, v2;
	v5 =	vld [tilespmem:s21+$0x0];
	v3 =	vadd.f32 v6, v3  }
0x102: {  	s5 =	sor.u32 $0x20, s17;
	v15 =	vld [tilespmem:s15+$0x80]  }
0x103: {  	s14 =	sor.u32 s5, s1;
	v2 =	vadd.f32 v10, v2;
	v1 =	vadd.f32 v1, v3;
	v3 =	vld [tilespmem:s30+$0x100]  }
0x104: {  	v18 =	vld [tilespmem:s14+$0x80];
	v4 =	vadd.f32 v9, v4;
	v0 =	vadd.f32 $1.000000000e+00, v0  }
0x105: {  	v11 =	vld [tilespmem:s30+$0x180];
	v9 =	vshra.s32 v2, $0x1;
	v2 =	vmul.f32 $5.000000000e-01, v2;
	v10 =	vshra.s32 v1, $0x1  }
0x106: {  	v45 =	vld [tilespmem:s16+$0x100];
	v4 =	vadd.f32 v5, v4;
	v0 =	vadd.f32 v7, v0;
	v7 =	vsub.s32 $0x5F3759DF, v9  }
0x107: {  	v1 =	vmul.f32 $5.000000000e-01, v1;
	v9 =	vsub.s32 $0x5F3759DF, v10;
	v10 =	vld [tilespmem:s30+$0x200];
	v14 =	vmul.f32 v7, v2  }
0x108: {  	v46 =	vld [tilespmem:s15+$0x100];
	v12 =	vshra.s32 v4, $0x1;
	v4 =	vmul.f32 $5.000000000e-01, v4;
	v0 =	vadd.f32 v3, v0  }
0x109: {  	v17 =	vld [tilespmem:s30+$0x280];
	v3 =	vmul.f32 v9, v1;
	v12 =	vsub.s32 $0x5F3759DF, v12  }
0x10a: {  	v8 =	vld [tilespmem:s15+$0x0];
	v14 =	vmul.f32 v7, v14;
	v16 =	vmul.f32 v12, v4;
	v0 =	vadd.f32 v11, v0  }
0x10b: {  	v44 =	vld [tilespmem:s30+$0x300];
	v3 =	vmul.f32 v9, v3  }
0x10c: {  	v48 =	vld [tilespmem:s14+$0x100];
	v14 =	vsub.f32 $1.500000000e+00, v14;
	v11 =	vmul.f32 v12, v16;
	v0 =	vadd.f32 v10, v0  }
0x10d: {  	s3 =	sor.u32 s10, s2;
	s10 =	smov.u32 s5;
	s5 =	sadd.s32 $0x12C00, s19;
	v3 =	vsub.f32 $1.500000000e+00, v3;
	v10 =	vld [tilespmem:s30+$0x380]  }
0x10e: {  	v52 =	vld [tilespmem:s16+$0x180];
	s18 =	sor.u32 s7, s5;
	v7 =	vmul.f32 v7, v14;
	v11 =	vsub.f32 $1.500000000e+00, v11;
	v0 =	vadd.f32 v17, v0  }
0x10f: {  	s20 =	sadd.s32 $0x12C80, s19;
	s23 =	sadd.s32 $0x12D00, s19;
	v8 =	vadd.f32 $1.000000000e+00, v8;
	v3 =	vmul.f32 v9, v3;
	v9 =	vld [tilespmem:s18+$0x0]  }
0x110: {  	s26 =	sadd.s32 $0x12D80, s19;
	s31 =	sor.u32 s8, s2;
	s22 =	sor.u32 s7, s20;
	v6 =	vld [tilespmem:s16+$0x0];
	v47 =	vmul.f32 v7, v2;
	v11 =	vmul.f32 v12, v11;
	v0 =	vadd.f32 v44, v0  }
0x111: {  	s8 =	smov.u32 s4;
	s4 =	smov.u32 s13;
	[dreg:$0x8] =	wrdreg s31;
	v50 =	vld [tilespmem:s22+$0x0];
	v8 =	vadd.f32 v15, v8;
	v49 =	vmul.f32 v3, v1  }
0x112: {  	s28 =	sor.u32 s17, s23;
	[dreg:$0x6] =	wrdreg s4;
	v56 =	vld [tilespmem:s15+$0x180];
	s24 =	sor.u32 s7, s23;
	v15 =	vmul.f32 v47, v7;
	v51 =	vmul.f32 v11, v4;
	v0 =	vadd.f32 v10, v0  }
0x113: {  	s29 =	sor.u32 s8, s23;
	[dreg:$0x7] =	wrdreg s3;
	s1 =	sor.u32 s10, s5;
	v53 =	vld [tilespmem:s24+$0x0];
	v10 =	vmul.f32 v49, v3  }
0x114: {  	v58 =	vld [tilespmem:s14+$0x180];
	s6 =	sor.u32 s17, s5;
	[dreg:$0xc] =	wrdreg s1;
	s1 =	sor.u32 s7, s26;
	v54 =	vsub.f32 $1.500000000e+00, v15;
	v55 =	vmul.f32 v51, v11;
	v0 =	vadd.f32 v9, v0  }
0x115: {  	s9 =	sor.u32 s8, s5;
	s31 =	sor.u32 s10, s20;
	s3 =	sadd.s32 $0x12E00, s19;
	v6 =	vadd.f32 $1.000000000e+00, v6;
	v9 =	vsub.f32 $1.500000000e+00, v10;
	v10 =	vld [tilespmem:s1+$0x0]  }
0x116: {  	[dreg:$0xa] =	wrdreg s6;
	s4 =	sor.u32 s7, s3;
	s21 =	sor.u32 s8, s20;
	v5 =	vld [tilespmem:s14+$0x0];
	v7 =	vmul.f32 v54, v7;
	v57 =	vsub.f32 $1.500000000e+00, v55;
	v0 =	vadd.f32 v50, v0  }
0x117: {  	s25 =	sor.u32 s10, s23;
	[dreg:$0xb] =	wrdreg s21;
	s21 =	sadd.s32 $0x12E80, s19;
	v6 =	vadd.f32 v13, v6;
	v8 =	vadd.f32 v46, v8;
	v3 =	vmul.f32 v9, v3;
	v9 =	vld [tilespmem:s4+$0x0]  }
0x118: {  	v59 =	vld [tilespmem:s16+$0x200];
	s23 =	sor.u32 s8, s26;
	[dreg:$0x9] =	wrdreg s9;
	s22 =	sor.u32 s7, s21;
	v2 =	vmul.f32 v7, v2;
	v11 =	vmul.f32 v57, v11;
	v0 =	vadd.f32 v53, v0  }
0x119: {  	s9 =	sor.u32 s10, s26;
	s6 =	sor.u32 s17, s3;
	s24 =	sadd.s32 $0x12F00, s19;
	v60 =	vld [tilespmem:s22+$0x0];
	v6 =	vadd.f32 v45, v6;
	v8 =	vadd.f32 v56, v8;
	v1 =	vmul.f32 v3, v1  }
0x11a: {  	v61 =	vld [tilespmem:s15+$0x200];
	s30 =	sor.u32 s17, s20;
	s20 =	sor.u32 s17, s26;
	s26 =	sor.u32 s7, s24;
	v2 =	vmul.f32 v2, v7;
	v4 =	vmul.f32 v11, v4;
	v0 =	vadd.f32 v10, v0  }
0x11b: {  	s5 =	sor.u32 s10, s3;
	s0 =	sor.u32 s17, s24;
	s19 =	sadd.s32 $0x12F80, s19;
	v5 =	vadd.f32 $1.000000000e+00, v5;
	v6 =	vadd.f32 v52, v6;
	v1 =	vmul.f32 v1, v3;
	v10 =	vld [tilespmem:s26+$0x0]  }
0x11c: {  	v62 =	vld [tilespmem:s14+$0x200];
	s2 =	sor.u32 s17, s21;
	s26 =	sor.u32 s17, s19;
	s17 =	sor.u32 s7, s19;
	v2 =	vsub.f32 $1.500000000e+00, v2;
	v4 =	vmul.f32 v4, v11;
	v0 =	vadd.f32 v9, v0  }
0x11d: {  	s22 =	sor.u32 s8, s19;
	v5 =	vadd.f32 v18, v5;
	s18 =	sor.u32 s8, s3;
	s3 =	sor.u32 s10, s21;
	v1 =	vsub.f32 $1.500000000e+00, v1;
	v9 =	vld [tilespmem:s17+$0x0]  }
0x11e: {  	s4 =	sor.u32 s8, s21;
	s21 =	sor.u32 s10, s19;
	s19 =	rddreg [dreg:$0x5];
	v2 =	vmul.f32 v2, v7;
	v7 =	vld [tilespmem:s16+$0x280];
	v4 =	vsub.f32 $1.500000000e+00, v4;
	v0 =	vadd.f32 v60, v0  }
0x11f: {  	v5 =	vadd.f32 v48, v5;
	s17 =	sadd.s32 $0x40, s19;
	v1 =	vmul.f32 v1, v3;
	v3 =	vadd.f32 v61, v8;
	v8 =	vld [tilespmem:s15+$0x280]  }
0x120: {  	s19 =	rddreg [dreg:$0x8];
	[tilespmem:s17+$0x0] =	vst v2;
	v2 =	vmul.f32 v4, v11;
	v4 =	vld [tilespmem:s14+$0x280];
	v0 =	vadd.f32 v10, v0  }
0x121: {  	v6 =	vadd.f32 v59, v6;
	v5 =	vadd.f32 v58, v5;
	[tilespmem:s19+$0x0] =	vst v1;
	v1 =	vld [tilespmem:s16+$0x300];
	s19 =	rddreg [dreg:$0x7]  }
0x122: {  	[tilespmem:s19+$0x0] =	vst v2;
	v2 =	vld [tilespmem:s15+$0x300];
	v0 =	vadd.f32 v9, v0  }
0x123: {  	v5 =	vadd.f32 v62, v5;
	v6 =	vadd.f32 v7, v6;
	v7 =	vld [tilespmem:s14+$0x300]  }
0x124: {  	v9 =	vld [tilespmem:s16+$0x380];
	v3 =	vadd.f32 v8, v3;
	v8 =	vshra.s32 v0, $0x1;
	v10 =	vmul.f32 $5.000000000e-01, v0  }
0x125: {  	v0 =	vld [tilespmem:s15+$0x380];
	v4 =	vadd.f32 v4, v5;
	v5 =	vsub.s32 $0x5F3759DF, v8  }
0x126: {  	s15 =	rddreg [dreg:$0xa];
	v1 =	vadd.f32 v1, v6;
	v6 =	vld [tilespmem:s14+$0x380];
	v8 =	vmul.f32 v5, v10  }
0x127: {  	s16 =	rddreg [dreg:$0x9];
	v11 =	vld [tilespmem:s15+$0x0]  }
0x128: {  	s19 =	rddreg [dreg:$0xc];
	v2 =	vadd.f32 v2, v3;
	v3 =	vld [tilespmem:s16+$0x0];
	v4 =	vadd.f32 v7, v4;
	v7 =	vmul.f32 v5, v8  }
0x129: {  	v1 =	vadd.f32 v9, v1;
	v8 =	vld [tilespmem:s19+$0x0]  }
0x12a: {  	v9 =	vld [tilespmem:s30+$0x0];
	s30 =	rddreg [dreg:$0xb];
	v0 =	vadd.f32 v0, v2;
	v2 =	vsub.f32 $1.500000000e+00, v7  }
0x12b: {  	v7 =	vld [tilespmem:s30+$0x0]  }
0x12c: {  	v4 =	vadd.f32 v6, v4;
	v6 =	vld [tilespmem:s31+$0x0];
	v2 =	vmul.f32 v5, v2  }
0x12d: {  	v1 =	vadd.f32 v11, v1;
	v5 =	vld [tilespmem:s28+$0x0]  }
0x12e: {  	v11 =	vld [tilespmem:s20+$0x0];
	v0 =	vadd.f32 v3, v0;
	v4 =	vadd.f32 v8, v4;
	v8 =	vmul.f32 v2, v10  }
0x12f: {  	v3 =	vld [tilespmem:s29+$0x0]  }
0x130: {  	v1 =	vadd.f32 v9, v1;
	v9 =	vld [tilespmem:s25+$0x0];
	v0 =	vadd.f32 v7, v0;
	v7 =	vmul.f32 v8, v2  }
0x131: {  	v4 =	vadd.f32 v6, v4;
	v8 =	vld [tilespmem:s23+$0x0]  }
0x132: {  	v1 =	vadd.f32 v5, v1;
	v5 =	vld [tilespmem:s9+$0x0];
	v6 =	vsub.f32 $1.500000000e+00, v7  }
0x133: {  	v7 =	vld [tilespmem:s6+$0x0]  }
0x134: {  	s11 =	sadd.s32 $0x4, s11;
	v63 =	vld [tilespmem:s18+$0x0];
	v3 =	vadd.f32 v3, v0;
	v0 =	vmul.f32 v6, v2  }
0x135: {  	p0 =	slt.u32 s11, $0x24;
	v1 =	vadd.f32 v11, v1;
	v11 =	vld [tilespmem:s5+$0x0]  }
.Ltmp3:
0x136: {  	v4 =	vadd.f32 v9, v4;
	v2 =	vld [tilespmem:s2+$0x0];
	v6 =	vadd.f32 v8, v3;
	v8 =	vmul.f32 v0, v10;
	(pc) =	sbr.rel @p0 .LBB2_7-.Ltmp3, $4  }
0x137: {  	v3 =	vld [tilespmem:s4+$0x0]  }
0x138: {  	v10 =	vadd.f32 v5, v4;
	v4 =	vld [tilespmem:s3+$0x0];
	v9 =	vadd.f32 v7, v1;
	v1 =	vmul.f32 v8, v0  }
0x139: {  	s12 =	sadd.s32 $0x200, s12;
	s1 =	sor.u32 s8, s24;
	v5 =	vld [tilespmem:s0+$0x0];
	v8 =	vadd.f32 v63, v6  }
0x13a: {  	s13 =	sadd.s32 $0x40, s13;
	s24 =	sor.u32 s10, s24;
	s6 =	rddreg [dreg:$0x6];
	v6 =	vld [tilespmem:s1+$0x0];
	v7 =	vadd.f32 v11, v10;
	v1 =	vsub.f32 $1.500000000e+00, v1  }
0x13b: {  	v10 =	vld [tilespmem:s24+$0x0]  }
0x13c: {  	v11 =	vld [tilespmem:s26+$0x0]  }
0x13d: {  	v12 =	vld [tilespmem:s22+$0x0]  }
0x13e: {  	v2 =	vadd.f32 v2, v9;
	v41 =	vld [tilespmem:s21+$0x0];
	v3 =	vadd.f32 v3, v8  }
0x13f: {  	v4 =	vadd.f32 v4, v7  }
0x140: {  	v2 =	vadd.f32 v5, v2;
	v3 =	vadd.f32 v6, v3  }
0x141: {  	v4 =	vadd.f32 v10, v4  }
0x142: {  	v2 =	vadd.f32 v11, v2;
	v3 =	vadd.f32 v12, v3  }
0x143: {  	v4 =	vadd.f32 v41, v4  }
0x144: {  	v42 =	vshra.s32 v2, $0x1;
	v2 =	vmul.f32 $5.000000000e-01, v2;
	v43 =	vshra.s32 v3, $0x1  }
0x145: {  	v3 =	vmul.f32 $5.000000000e-01, v3;
	v5 =	vsub.s32 $0x5F3759DF, v42;
	v44 =	vshra.s32 v4, $0x1  }
0x146: {  	v4 =	vmul.f32 $5.000000000e-01, v4;
	v6 =	vsub.s32 $0x5F3759DF, v43;
	v45 =	vmul.f32 v5, v2  }
0x147: {  	v7 =	vsub.s32 $0x5F3759DF, v44;
	v46 =	vmul.f32 v6, v3  }
0x148: {  	v47 =	vmul.f32 v7, v4;
	v8 =	vmul.f32 v5, v45  }
0x149: {  	v9 =	vmul.f32 v6, v46  }
0x14a: {  	v10 =	vmul.f32 v7, v47;
	v8 =	vsub.f32 $1.500000000e+00, v8  }
0x14b: {  	v9 =	vsub.f32 $1.500000000e+00, v9  }
0x14c: {  	v5 =	vmul.f32 v5, v8;
	v48 =	vsub.f32 $1.500000000e+00, v10  }
0x14d: {  	v6 =	vmul.f32 v6, v9  }
0x14e: {  	v49 =	vmul.f32 v5, v2;
	v7 =	vmul.f32 v7, v48  }
0x14f: {  	v50 =	vmul.f32 v6, v3  }
0x150: {  	v9 =	vmul.f32 v49, v5;
	v51 =	vmul.f32 v7, v4  }
0x151: {  	v8 =	vmul.f32 v50, v6  }
0x152: {  	v9 =	vsub.f32 $1.500000000e+00, v9;
	v10 =	vmul.f32 v51, v7  }
0x153: {  	v8 =	vsub.f32 $1.500000000e+00, v8  }
0x154: {  	v5 =	vmul.f32 v9, v5;
	v52 =	vsub.f32 $1.500000000e+00, v10  }
0x155: {  	v6 =	vmul.f32 v8, v6  }
0x156: {  	v2 =	vmul.f32 v5, v2;
	v7 =	vmul.f32 v52, v7  }
0x157: {  	v3 =	vmul.f32 v6, v3  }
0x158: {  	v2 =	vmul.f32 v2, v5;
	v4 =	vmul.f32 v7, v4  }
0x159: {  	v3 =	vmul.f32 v3, v6  }
0x15a: {  	s0 =	sand.u32 $0x380, s6;
	v2 =	vsub.f32 $1.500000000e+00, v2;
	v4 =	vmul.f32 v4, v7  }
0x15b: {  	s0 =	sor.u32 $0x14000, s0;
	v0 =	vmul.f32 v1, v0;
	v1 =	vsub.f32 $1.500000000e+00, v3  }
0x15c: {  	s1 =	sor.u32 s7, s0;
	v2 =	vmul.f32 v2, v5;
	v3 =	vsub.f32 $1.500000000e+00, v4  }
0x15d: {  	s25 =	sadd.s32 $0x40, s17;
	[tilespmem:s1+$0x0] =	vst v0;
	v0 =	vmul.f32 v1, v6  }
0x15e: {  	s2 =	sor.u32 s8, s0;
	[tilespmem:s25+$0x0] =	vst v2;
	v1 =	vmul.f32 v3, v7  }
0x15f: {  	s0 =	sor.u32 s10, s0;
	[tilespmem:s2+$0x0] =	vst v0  }
0x160: {  	[tilespmem:s0+$0x0] =	vst v1  }
0x161: {  	s26 =	simm.s32 $0x14000;
	s28 =	simm.s32 $0x2;
	s1 =	rddreg [dreg:$0xf]  }
0x162: {  	[spmem:s1] =	stream.linear.scatter [tilespmem:s26], [sflag:$0x2], $0x280, $0x38;
	[tilespmem:$0x16D00] =	vst v63  }
0x163: {  	_ =	swait.ge [sflag:s28], $0x280  }
0x164: {  	[sflag:s28] =	ssyncset.done $0x0  }
0x165: {  	s29 =	simm.s32 $0x0;
	s3 =	rddreg [dreg:$0xe];
	[sflag:s28] =	ssyncadd.s32 $0xFFFFFD80  }
0x166: {  	[hbm4b:s3+s29] =	stream.linear.scatter [tilespmem:s26], [sflag:$0x2], $0x280, $0x38;
	[tilespmem:$0x16D00] =	vst v63  }
0x167: {  	_ =	swait.ge [sflag:s28], $0x280  }
0x168: {  	[sflag:s28] =	ssyncset.done $0x0  }
0x169: {  	[sflag:s28] =	ssyncadd.s32 $0xFFFFFD80  }
0x16a: {  	[bflag:$0x0] =	sbarrier.arrive $0xFFFF  }
0x16b: {  	s0 =	simm.s32 $0xF000;
	s30 =	rddreg [dreg:$0x3]  }
0x16c: {  	[tilespmem:s0], [sflag:$0x2] =	stream.linear.gather [spmem:s30], $0x2800, $0x38;
	[tilespmem:$0x16D00] =	vst v63  }
0x16d: {  	_ =	swait.ge [sflag:s28], $0x2800  }
0x16e: {  	[sflag:s28] =	ssyncset.done $0x0  }
0x16f: {  	s31 =	simm.s32 $0x80;
	[sflag:s28] =	ssyncadd.s32 $0xFFFFD800  }
0x170: {  	v0 =	vld [tilespmem:s31+$0x70]  }
0x171: {  	v1 =	vld [tilespmem:s31+$0x10]  }
0x172: {  	v2 =	vld [tilespmem:s31+$0x20]  }
0x173: {  	v3 =	vld [tilespmem:s31+$0x30]  }
0x174: {  	v53 =	vld [tilespmem:s31+$0x40]  }
0x175: {  	v54 =	vld [tilespmem:s31+$0x50]  }
0x176: {  	v55 =	vld [tilespmem:s31+$0xFFFFFFF0]  }
0x177: {  	v56 =	vld [tilespmem:s31+$0x60]  }
0x178: {  	v57 =	vld [tilespmem:s31+$0x0]  }
0x179: {  	v60 =	vld [tilespmem:s31+$0xFFFFFF80]  }
0x17a: {  	v61 =	vld [tilespmem:s31+$0xFFFFFF90]  }
0x17b: {  	v62 =	vld [tilespmem:s31+$0xFFFFFFA0]  }
0x17c: {  	v63 =	vld [tilespmem:s31+$0xFFFFFFB0]  }
0x17d: {  	v13 =	vld [tilespmem:s31+$0xFFFFFFC0]  }
0x17e: {  	v14 =	vld [tilespmem:s31+$0xFFFFFFD0]  }
0x17f: {  	v0 =	vld.idx.msk [tilespmem:v0+s0+$0x0], $0xffff  }
0x180: {  	v58 =	vld.idx.msk [tilespmem:v1+s0+$0x0], $0xffff  }
0x181: {  	v2 =	vld.idx.msk [tilespmem:v2+s0+$0x0], $0xffff  }
0x182: {  	v3 =	vld.idx.msk [tilespmem:v3+s0+$0x0], $0xffff  }
0x183: {  	v4 =	vld.idx.msk [tilespmem:v53+s0+$0x0], $0xffff  }
0x184: {  	v59 =	vld.idx.msk [tilespmem:v57+s0+$0x0], $0xffff  }
0x185: {  	v5 =	vld.idx.msk [tilespmem:v54+s0+$0x0], $0xffff  }
0x186: {  	s1 =	simm.s32 $0xC800;
	v1 =	vld [tilespmem:s31+$0xFFFFFFE0]  }
0x187: {  	[tilespmem:v55+s1+$0x0] =	vst.idx.add.f32.msk $0xffff, v0  }
0x188: {  	v0 =	vld.idx.msk [tilespmem:v56+s0+$0x0], $0xffff  }
0x189: {  	[tilespmem:v60+s1+$0x0] =	vst.idx.add.f32.msk $0xffff, v59  }
0x18a: {  	[tilespmem:v61+s1+$0x0] =	vst.idx.add.f32.msk $0xffff, v58  }
0x18b: {  	[tilespmem:v62+s1+$0x0] =	vst.idx.add.f32.msk $0xffff, v2  }
0x18c: {  	[tilespmem:v63+s1+$0x0] =	vst.idx.add.f32.msk $0xffff, v3  }
0x18d: {  	[tilespmem:v13+s1+$0x0] =	vst.idx.add.f32.msk $0xffff, v4  }
0x18e: {  	s2 =	simm.s32 $0x0;
	s3 =	simm.s32 $0x180;
	[tilespmem:v14+s1+$0x0] =	vst.idx.add.f32.msk $0xffff, v5  }
.LBB2_9:
0x18f: {  	v2 =	vld [tilespmem:s3+$0x70];
	s2 =	sadd.s32 $0x8, s2  }
0x190: {  	v3 =	vld [tilespmem:s3+$0x10];
	p0 =	slt.u32 s2, $0x4F8  }
0x191: {  	v4 =	vld [tilespmem:s3+$0x20]  }
0x192: {  	v5 =	vld [tilespmem:s3+$0x30]  }
0x193: {  	v6 =	vld [tilespmem:s3+$0x40]  }
0x194: {  	v7 =	vld [tilespmem:s3+$0x50]  }
0x195: {  	v8 =	vld [tilespmem:s3+$0xFFFFFFF0]  }
0x196: {  	v9 =	vld [tilespmem:s3+$0x60]  }
0x197: {  	v2 =	vld.idx.msk [tilespmem:v2+s0+$0x0], $0xffff  }
0x198: {  	v10 =	vld [tilespmem:s3+$0x0]  }
0x199: {  	v3 =	vld.idx.msk [tilespmem:v3+s0+$0x0], $0xffff  }
0x19a: {  	v4 =	vld.idx.msk [tilespmem:v4+s0+$0x0], $0xffff  }
0x19b: {  	v5 =	vld.idx.msk [tilespmem:v5+s0+$0x0], $0xffff  }
0x19c: {  	v6 =	vld.idx.msk [tilespmem:v6+s0+$0x0], $0xffff  }
0x19d: {  	[tilespmem:v8+s1+$0x0] =	vst.idx.add.f32.msk $0xffff, v2  }
0x19e: {  	v2 =	vld.idx.msk [tilespmem:v7+s0+$0x0], $0xffff  }
0x19f: {  	v7 =	vld.idx.msk [tilespmem:v9+s0+$0x0], $0xffff  }
0x1a0: {  	v8 =	vld.idx.msk [tilespmem:v10+s0+$0x0], $0xffff  }
0x1a1: {  	v9 =	vld [tilespmem:s3+$0xFFFFFF80]  }
0x1a2: {  	v10 =	vld [tilespmem:s3+$0xFFFFFF90]  }
0x1a3: {  	v11 =	vld [tilespmem:s3+$0xFFFFFFA0]  }
0x1a4: {  	v12 =	vld [tilespmem:s3+$0xFFFFFFB0]  }
0x1a5: {  	v13 =	vld [tilespmem:s3+$0xFFFFFFC0]  }
0x1a6: {  	v14 =	vld [tilespmem:s3+$0xFFFFFFD0]  }
0x1a7: {  	v15 =	vld [tilespmem:s3+$0xFFFFFFE0]  }
0x1a8: {  	[tilespmem:v1+s1+$0x0] =	vst.idx.add.f32.msk $0xffff, v0;
	v0 =	vmov v7  }
0x1a9: {  	[tilespmem:v9+s1+$0x0] =	vst.idx.add.f32.msk $0xffff, v8  }
.Ltmp4:
0x1aa: {  	[tilespmem:v10+s1+$0x0] =	vst.idx.add.f32.msk $0xffff, v3;
	(pc) =	sbr.rel @p0 .LBB2_9-.Ltmp4, $4  }
0x1ab: {  	[tilespmem:v11+s1+$0x0] =	vst.idx.add.f32.msk $0xffff, v4  }
0x1ac: {  	[tilespmem:v12+s1+$0x0] =	vst.idx.add.f32.msk $0xffff, v5;
	v1 =	vmov v15  }
0x1ad: {  	[tilespmem:v13+s1+$0x0] =	vst.idx.add.f32.msk $0xffff, v6  }
0x1ae: {  	s3 =	sadd.s32 $0x100, s3;
	[tilespmem:v14+s1+$0x0] =	vst.idx.add.f32.msk $0xffff, v2  }
0x1af: {  	_ =	sdelay $0x3  }
0x1b0: {  	[tilespmem:v1+s1+$0x0] =	vst.idx.add.f32.msk $0xffff, v0;
	s0 =	simm.s32 $0x80;
	s29 =	simm.s32 $0x400  }
0x1b1: {  	s2 =	simm.s32 $0xC800;
	s30 =	simm.s32 $0x2;
	s3 =	rddreg [dreg:$0xd]  }
0x1b2: {  	[hbm4b:s3+s0] =	stream.strided.scatter [tilespmem:s2], [sflag:$0x2], $0x2800, s29, s0, $0x38;
	[tilespmem:$0x16D00] =	vst v63  }
0x1b3: {  	_ =	swait.ge [sflag:s30], $0x2800  }
0x1b4: {  	[sflag:s30] =	ssyncset.done $0x0  }
0x1b5: {  	[sflag:s30] =	ssyncadd.s32 $0xFFFFD800  }
0x1b6: {  	_ =	sfence.sel $0x180000  }
0x1b7: {  	[bflag:$0x0] =	sbarrier.arrive $0xFFFF  }
0x1b8: {  	_ =	strace $0x90000047  }
0x1b9: {  	s31 =	stileid.u32;
	[bflag:$0x2] =	sbarrier.arrive $0xFFFF  }
0x1ba: {  	p0 =	sne.s32 s31, $0x0;
	s0 =	rddreg [dreg:$0x4]  }
0x1bb: {  	s0 =	sadd.s32 @!p0 $0x100000, s0  }
0x1bc: {  	[sflag:s0] =	ssyncadd.tile.s32 @!p0 $0x1;
	_ =	shalt  }
.Lfunc_end2:
_tile_overlayer_lowered:
.L_overlay_start_2:
0x1bd: {  	(tag) =	ssettag $0x2  }
0x1be: {  	s0 =	rddreg [dreg:$0x0];
	s2 =	stileid.u32  }
0x1bf: {  	s1 =	rddreg [dreg:$0x1];
	p0 =	sne.s32 s2, $0x0  }
0x1c0: {  	s3 =	rddreg [dreg:$0x2];
	[bflag:$0x3] =	sbarrier.arrive $0xFFFF;
	s2 =	simm.s32 @!p0 $0x1C02  }
0x1c1: {  	[timem:s3], [sflag:s2] =	dma.local @!p0 [hbm:s0], s1  }
0x1c2: {  	s0 =	simm.s32 @!p0 $0x2  }
0x1c3: {  	_ =	swait.ge @!p0 [sflag:s0], s1  }
0x1c4: {  	s1 =	ssub.s32 @!p0 $0x0, s1;
	[sflag:s0] =	ssyncset.done @!p0 $0x0  }
0x1c5: {  	[sflag:s0] =	ssyncadd.s32 @!p0 s1  }
0x1c6: {  	[bflag:$0x3] =	sbarrier.arrive $0xFFFF  }
0x1c7: {  	_ =	shalt  }

</sc_bundles>
